<compile_context>
chip_gen: v7x
topology: tpu7x:2x2x1
jax: 0.10.2.dev20260603
libtpu: 0.0.44.dev20260713+nightly
codegen_flags: <defaults>
</compile_context>

<pallas_src>
import functools

import jax
import jax.numpy as jnp
from jax import lax
from jax.experimental import pallas as pl
from jax.experimental.pallas import tpu as pltpu
from jax.experimental.pallas import tpu_sc as plsc

_B, _N, _M, _DIM = 16, 128, 128, 64
_INF = 1000000000.0
_L = 16
_NCH = _N // _L


def _stage1_tc_kernel(x_ref, y_ref, s_out_ref):
    ones_row = jnp.ones((1, _DIM), jnp.float32)
    pad = jnp.full((8, _N), _INF, jnp.float32)
    for b in range(_B):
        Xb = x_ref[b]
        Yb = y_ref[b]
        x2row = jax.lax.dot_general(
            ones_row, Xb * Xb,
            (((1,), (1,)), ((), ())),
            preferred_element_type=jnp.float32,
        )
        y2col = jnp.sum(Yb * Yb, axis=1, keepdims=True)
        C = jax.lax.dot_general(
            Yb, Xb,
            (((1,), (1,)), ((), ())),
            preferred_element_type=jnp.float32,
        )
        Db = (y2col + x2row) - 2.0 * C
        s_out_ref[b] = jnp.concatenate([Db, pad], axis=0)


def _sc_dp_kernel(s_hbm, out_hbm, s_v, row_v):
    c = lax.axis_index("c")
    s = lax.axis_index("s")
    b = c * 8 + s

    @pl.when(s < 8)
    def _():
        pltpu.sync_copy(s_hbm.at[pl.ds(b * ((_M + 8) * _N), (_M + 8) * _N)], s_v)

        iota = lax.broadcasted_iota(jnp.int32, (_L,), 0)
        inf_vec = jnp.full((_L,), _INF, jnp.float32)
        lane0 = iota == 0
        idxrot = (iota + (_L - 1)) & (_L - 1)
        dn = lax.GatherDimensionNumbers(
            offset_dims=(), collapsed_slice_dims=(0,), start_index_map=(0,))

        def rotate(v):
            return lax.gather(v, idxrot[:, None], dn, (1,),
                              mode=lax.GatherScatterMode.PROMISE_IN_BOUNDS)

        def shift_all(ms):
            rots = [rotate(m) for m in ms]
            sh = [jnp.where(lane0, inf_vec, rots[0])]
            for j in range(1, _NCH):
                sh.append(jnp.where(lane0, rots[j - 1], rots[j]))
            return sh

        ibase = [(iota + j * _L) * (-(_N - 1)) for j in range(_NCH)]
        last = jnp.full((_L,), (_M + 8) * _N - 1, jnp.uint32)

        def diag_chunk(j, d128):
            raw = lax.bitcast_convert_type(ibase[j] + d128, jnp.uint32)
            idx = lax.bitcast_convert_type(jnp.minimum(raw, last), jnp.int32)
            return plsc.load_gather(s_v, [idx])

        start = jnp.where(lane0, 0.0, _INF)
        p1 = []
        for j in range(_NCH):
            p1.append(diag_chunk(j, 0) + (start if j == 0 else inf_vec))
        msh = shift_all(p1)

        def body(d, carry):
            p1c, mshc = carry
            d128 = d * _N
            a0, m = [], []
            for j in range(_NCH):
                t = diag_chunk(j, d128)
                aj = t + jnp.minimum(p1c[j], mshc[j])
                a0.append(aj)
                m.append(jnp.minimum(aj, p1c[j]))
            return tuple(a0), tuple(shift_all(m))

        p1, msh = lax.fori_loop(1, 2 * _N - 1, body, (tuple(p1), tuple(msh)),
                                unroll=2)

        for j in range(_NCH):
            row_v[pl.ds(j * _L, _L)] = p1[j]
        pltpu.sync_copy(row_v, out_hbm.at[pl.ds(b * _N, _N)])


_sc_dp = functools.partial(
    pl.kernel,
    out_type=jax.ShapeDtypeStruct((_B * _N,), jnp.float32),
    mesh=plsc.VectorSubcoreMesh(core_axis_name="c", subcore_axis_name="s",
                                num_cores=2, num_subcores=16),
    scratch_types=[
        pltpu.VMEM(((_M + 8) * _N,), jnp.float32),
        pltpu.VMEM((_N,), jnp.float32),
    ],
    compiler_params=pltpu.CompilerParams(needs_layout_passes=False),
)(_sc_dp_kernel)


def kernel(X, Y):
    S = pl.pallas_call(
        _stage1_tc_kernel,
        out_shape=jax.ShapeDtypeStruct((_B, _M + 8, _N), jnp.float32),
    )(X, Y)
    out = _sc_dp(S.reshape(_B * (_M + 8) * _N))
    return out.reshape(_B, _N)[:, _N - 1]

# --- scband reference (transcript-rebuilt; emitter-appended) ---
"""Pipeline reference for scband-ldtw-29068338659749 (READ-ONLY COPY).

The authoritative reference and input builder live on the scoring server;
editing this copy changes nothing except your own understanding.
"""

import jax, jax.numpy as jnp
import numpy as np

B, N, M, DIM = 16, 128, 128, 64
MAX_LEN = 256
BANDWIDTH = 1.0
INF = 1000000000.0
THRESH = 100000000.0


def setup_inputs(seed: int = 0):
    key = jax.random.key(seed)
    k1, k2 = jax.random.split(key)
    X = jax.random.normal(k1, (B, N, DIM), dtype=jnp.float32)
    Y = jax.random.normal(k2, (B, M, DIM), dtype=jnp.float32)
    return {"X": X, "Y": Y}


def _calc_distance_matrix(X, Y):
    diff = X[:, :, None, :] - Y[:, None, :, :]
    return jnp.sum(diff * diff, axis=3)


def _ldtw_dp(D, max_len, bandwidth):
    B_, N_, M_ = D.shape
    prev = jnp.full((B_, N_ + 1, M_ + 1), INF, dtype=jnp.float32)
    prev = prev.at[:, 0, 0].set(0.0)
    ii = jnp.arange(1, N_ + 1)[:, None]
    jj = jnp.arange(1, M_ + 1)[None, :]
    band_mask = (jnp.abs(ii - jj) > bandwidth * max(N_, M_)) & (bandwidth > 0)
    final_costs = [jnp.full((B_,), INF, dtype=jnp.float32)]
    choices_list = []
    for k in range(1, max_len + 1):
        c_diag = prev[:, 0:N_, 0:M_]
        c_vert = prev[:, 0:N_, 1:M_ + 1]
        c_hori = prev[:, 1:N_ + 1, 0:M_]
        min_val = c_diag
        choice = jnp.zeros((B_, N_, M_), dtype=jnp.int8)
        choice = jnp.where(c_vert < min_val, jnp.int8(1), choice)
        min_val = jnp.minimum(min_val, c_vert)
        choice = jnp.where(c_hori < min_val, jnp.int8(2), choice)
        min_val = jnp.minimum(min_val, c_hori)
        dead = min_val >= THRESH
        inner = jnp.where(dead, INF, min_val + D)
        ch = jnp.where(dead, jnp.int8(-1), choice)
        inner = jnp.where(band_mask[None], INF, inner)
        ch = jnp.where(band_mask[None], jnp.int8(-1), ch)
        curr = jnp.full((B_, N_ + 1, M_ + 1), INF, dtype=jnp.float32)
        curr = curr.at[:, 1:, 1:].set(inner)
        final_costs.append(curr[:, N_, M_])
        choices_list.append(ch)
        prev = curr
    final_costs = jnp.stack(final_costs, axis=1)
    return final_costs, choices_list


def reference(X, Y):
    D = _calc_distance_matrix(X, Y)
    B_, N_, M_ = D.shape
    final_costs, _ = _ldtw_dp(D, MAX_LEN, BANDWIDTH)
    min_valid_len = max(N_, M_)
    valid = final_costs[:, min_valid_len:]
    min_vals = jnp.min(valid, axis=1)
    return min_vals

if __name__ == "__main__":
    import jax
    _d = setup_inputs()
    print(jax.jit(kernel)(*tuple(_d.values())))

</pallas_src>

<mosaic_0001>
#map = affine_map<(d0, d1) -> (0)>
module attributes {stable_mosaic.version = 14 : i64} {
  func.func @_sc_dp_kernel(%arg0: i32, %arg1: i32, %arg2: memref<278528xf32, #tpu.memory_space<hbm>>, %arg3: memref<2048xf32, #tpu.memory_space<hbm>>, %arg4: memref<17408xf32, #tpu.memory_space<vmem>>, %arg5: memref<128xf32, #tpu.memory_space<vmem>>) attributes {dimension_semantics = [#tpu.dimension_semantics<core_parallel>, #tpu.dimension_semantics<subcore_parallel>], iteration_bounds = array<i64: 2, 16>, scalar_prefetch = 0 : i64, scratch_operands = 2 : i64, tpu.core_type = #tpu.core_type<sc_vector_subcore>, window_params = [{transform_indices = #map}, {transform_indices = #map}]} {
    %mul3A = arith.constant 8 : i32
    %mul3A_0 = arith.muli %arg0, %mul3A : i32
    %add3A = arith.addi %mul3A_0, %arg1 : i32
    %lt3A = arith.constant 8 : i32
    %lt3A_1 = arith.cmpi slt, %arg1, %lt3A : i32
    %convert_element_type3A = arith.extui %lt3A_1 : i1 to i32
    %cond3A = arith.constant 0 : i32
    %cond3A_2 = arith.cmpi ne, %convert_element_type3A, %cond3A : i32
    scf.if %cond3A_2 {
      %mul3A_3 = arith.constant 17408 : i32
      %mul3A_4 = arith.muli %add3A, %mul3A_3 : i32
      "tpu.region"() ({
        %run_scoped3A = tpu.sem_alloc : memref<!tpu.dma_semaphore, #tpu.memory_space<semaphore_mem>>
        %dma_start3A = tpu.memref_slice %arg2[%mul3A_4] : memref<278528xf32, #tpu.memory_space<hbm>> -> memref<17408xf32, #tpu.memory_space<hbm>>
        %dma_start3A_181 = tpu.memref_slice %arg2[%mul3A_4] : memref<278528xf32, #tpu.memory_space<hbm>> -> memref<17408xf32, #tpu.memory_space<hbm>>
        tpu.enqueue_dma source(%dma_start3A_181 : memref<17408xf32, #tpu.memory_space<hbm>>) target(%arg4 : memref<17408xf32, #tpu.memory_space<vmem>>) target_semaphore(%run_scoped3A : memref<!tpu.dma_semaphore, #tpu.memory_space<semaphore_mem>>)
        %dma_wait3A = tpu.memref_slice %arg2[%mul3A_4] : memref<278528xf32, #tpu.memory_space<hbm>> -> memref<17408xf32, #tpu.memory_space<hbm>>
        %dma_wait3A_182 = tpu.memref_slice %arg2[%mul3A_4] : memref<278528xf32, #tpu.memory_space<hbm>> -> memref<17408xf32, #tpu.memory_space<hbm>>
        tpu.wait_dma2 semaphore(%run_scoped3A : memref<!tpu.dma_semaphore, #tpu.memory_space<semaphore_mem>>) src(%dma_wait3A_182 : memref<17408xf32, #tpu.memory_space<hbm>>) dst(%arg4 : memref<17408xf32, #tpu.memory_space<vmem>>)
        tpu.yield
      }) : () -> ()
      %iota3A = tpu.iota {dimensions = array<i32: 0>} : vector<16xi32>
      %broadcast_in_dim3A = arith.constant 1.000000e+09 : f32
      %broadcast_in_dim3A_5 = vector.broadcast %broadcast_in_dim3A : f32 to vector<16xf32>
      %eq3A = arith.constant 0 : i32
      %eq3A_6 = vector.broadcast %eq3A : i32 to vector<16xi32>
      %eq3A_7 = arith.cmpi eq, %iota3A, %eq3A_6 : vector<16xi32>
      %add3A_8 = arith.constant 15 : i32
      %add3A_9 = vector.broadcast %add3A_8 : i32 to vector<16xi32>
      %add3A_10 = arith.addi %iota3A, %add3A_9 : vector<16xi32>
      %and3A = arith.constant 15 : i32
      %and3A_11 = vector.broadcast %and3A : i32 to vector<16xi32>
      %and3A_12 = arith.andi %add3A_10, %and3A_11 : vector<16xi32>
      %add3A_13 = arith.constant 0 : i32
      %add3A_14 = vector.broadcast %add3A_13 : i32 to vector<16xi32>
      %add3A_15 = arith.addi %iota3A, %add3A_14 : vector<16xi32>
      %mul3A_16 = arith.constant -127 : i32
      %mul3A_17 = vector.broadcast %mul3A_16 : i32 to vector<16xi32>
      %mul3A_18 = arith.muli %add3A_15, %mul3A_17 : vector<16xi32>
      %add3A_19 = arith.constant 16 : i32
      %add3A_20 = vector.broadcast %add3A_19 : i32 to vector<16xi32>
      %add3A_21 = arith.addi %iota3A, %add3A_20 : vector<16xi32>
      %mul3A_22 = arith.constant -127 : i32
      %mul3A_23 = vector.broadcast %mul3A_22 : i32 to vector<16xi32>
      %mul3A_24 = arith.muli %add3A_21, %mul3A_23 : vector<16xi32>
      %add3A_25 = arith.constant 32 : i32
      %add3A_26 = vector.broadcast %add3A_25 : i32 to vector<16xi32>
      %add3A_27 = arith.addi %iota3A, %add3A_26 : vector<16xi32>
      %mul3A_28 = arith.constant -127 : i32
      %mul3A_29 = vector.broadcast %mul3A_28 : i32 to vector<16xi32>
      %mul3A_30 = arith.muli %add3A_27, %mul3A_29 : vector<16xi32>
      %add3A_31 = arith.constant 48 : i32
      %add3A_32 = vector.broadcast %add3A_31 : i32 to vector<16xi32>
      %add3A_33 = arith.addi %iota3A, %add3A_32 : vector<16xi32>
      %mul3A_34 = arith.constant -127 : i32
      %mul3A_35 = vector.broadcast %mul3A_34 : i32 to vector<16xi32>
      %mul3A_36 = arith.muli %add3A_33, %mul3A_35 : vector<16xi32>
      %add3A_37 = arith.constant 64 : i32
      %add3A_38 = vector.broadcast %add3A_37 : i32 to vector<16xi32>
      %add3A_39 = arith.addi %iota3A, %add3A_38 : vector<16xi32>
      %mul3A_40 = arith.constant -127 : i32
      %mul3A_41 = vector.broadcast %mul3A_40 : i32 to vector<16xi32>
      %mul3A_42 = arith.muli %add3A_39, %mul3A_41 : vector<16xi32>
      %add3A_43 = arith.constant 80 : i32
      %add3A_44 = vector.broadcast %add3A_43 : i32 to vector<16xi32>
      %add3A_45 = arith.addi %iota3A, %add3A_44 : vector<16xi32>
      %mul3A_46 = arith.constant -127 : i32
      %mul3A_47 = vector.broadcast %mul3A_46 : i32 to vector<16xi32>
      %mul3A_48 = arith.muli %add3A_45, %mul3A_47 : vector<16xi32>
      %add3A_49 = arith.constant 96 : i32
      %add3A_50 = vector.broadcast %add3A_49 : i32 to vector<16xi32>
      %add3A_51 = arith.addi %iota3A, %add3A_50 : vector<16xi32>
      %mul3A_52 = arith.constant -127 : i32
      %mul3A_53 = vector.broadcast %mul3A_52 : i32 to vector<16xi32>
      %mul3A_54 = arith.muli %add3A_51, %mul3A_53 : vector<16xi32>
      %add3A_55 = arith.constant 112 : i32
      %add3A_56 = vector.broadcast %add3A_55 : i32 to vector<16xi32>
      %add3A_57 = arith.addi %iota3A, %add3A_56 : vector<16xi32>
      %mul3A_58 = arith.constant -127 : i32
      %mul3A_59 = vector.broadcast %mul3A_58 : i32 to vector<16xi32>
      %mul3A_60 = arith.muli %add3A_57, %mul3A_59 : vector<16xi32>
      %broadcast_in_dim3A_61 = arith.constant 17407 : i32
      %broadcast_in_dim3A_62 = vector.broadcast %broadcast_in_dim3A_61 : i32 to vector<16xi32>
      %jit3A = arith.constant 0.000000e+00 : f32
      %jit3A_63 = arith.constant 1.000000e+09 : f32
      %broadcast_in_dim3A_64 = vector.broadcast %jit3A : f32 to vector<16xf32>
      %broadcast_in_dim3A_65 = vector.broadcast %jit3A_63 : f32 to vector<16xf32>
      %select_n3A = arith.select %eq3A_7, %broadcast_in_dim3A_64, %broadcast_in_dim3A_65 : vector<16xi1>, vector<16xf32>
      %add3A_66 = arith.constant 0 : i32
      %add3A_67 = vector.broadcast %add3A_66 : i32 to vector<16xi32>
      %add3A_68 = arith.addi %mul3A_18, %add3A_67 : vector<16xi32>
      %bitcast_convert_type3A = tpu.bitcast %add3A_68 : vector<16xi32> -> vector<16xi32>
      %min3A = arith.minui %bitcast_convert_type3A, %broadcast_in_dim3A_62 : vector<16xi32>
      %bitcast_convert_type3A_69 = tpu.bitcast %min3A : vector<16xi32> -> vector<16xi32>
      %gather3A = tpu.vector_load_idx %arg4[%bitcast_convert_type3A_69] : memref<17408xf32, #tpu.memory_space<vmem>>[vector<16xi32>], vector<16xf32>,
      %add3A_70 = arith.addf %gather3A, %select_n3A : vector<16xf32>
      %add3A_71 = arith.constant 0 : i32
      %add3A_72 = vector.broadcast %add3A_71 : i32 to vector<16xi32>
      %add3A_73 = arith.addi %mul3A_24, %add3A_72 : vector<16xi32>
      %bitcast_convert_type3A_74 = tpu.bitcast %add3A_73 : vector<16xi32> -> vector<16xi32>
      %min3A_75 = arith.minui %bitcast_convert_type3A_74, %broadcast_in_dim3A_62 : vector<16xi32>
      %bitcast_convert_type3A_76 = tpu.bitcast %min3A_75 : vector<16xi32> -> vector<16xi32>
      %gather3A_77 = tpu.vector_load_idx %arg4[%bitcast_convert_type3A_76] : memref<17408xf32, #tpu.memory_space<vmem>>[vector<16xi32>], vector<16xf32>,
      %add3A_78 = arith.addf %gather3A_77, %broadcast_in_dim3A_5 : vector<16xf32>
      %add3A_79 = arith.constant 0 : i32
      %add3A_80 = vector.broadcast %add3A_79 : i32 to vector<16xi32>
      %add3A_81 = arith.addi %mul3A_30, %add3A_80 : vector<16xi32>
      %bitcast_convert_type3A_82 = tpu.bitcast %add3A_81 : vector<16xi32> -> vector<16xi32>
      %min3A_83 = arith.minui %bitcast_convert_type3A_82, %broadcast_in_dim3A_62 : vector<16xi32>
      %bitcast_convert_type3A_84 = tpu.bitcast %min3A_83 : vector<16xi32> -> vector<16xi32>
      %gather3A_85 = tpu.vector_load_idx %arg4[%bitcast_convert_type3A_84] : memref<17408xf32, #tpu.memory_space<vmem>>[vector<16xi32>], vector<16xf32>,
      %add3A_86 = arith.addf %gather3A_85, %broadcast_in_dim3A_5 : vector<16xf32>
      %add3A_87 = arith.constant 0 : i32
      %add3A_88 = vector.broadcast %add3A_87 : i32 to vector<16xi32>
      %add3A_89 = arith.addi %mul3A_36, %add3A_88 : vector<16xi32>
      %bitcast_convert_type3A_90 = tpu.bitcast %add3A_89 : vector<16xi32> -> vector<16xi32>
      %min3A_91 = arith.minui %bitcast_convert_type3A_90, %broadcast_in_dim3A_62 : vector<16xi32>
      %bitcast_convert_type3A_92 = tpu.bitcast %min3A_91 : vector<16xi32> -> vector<16xi32>
      %gather3A_93 = tpu.vector_load_idx %arg4[%bitcast_convert_type3A_92] : memref<17408xf32, #tpu.memory_space<vmem>>[vector<16xi32>], vector<16xf32>,
      %add3A_94 = arith.addf %gather3A_93, %broadcast_in_dim3A_5 : vector<16xf32>
      %add3A_95 = arith.constant 0 : i32
      %add3A_96 = vector.broadcast %add3A_95 : i32 to vector<16xi32>
      %add3A_97 = arith.addi %mul3A_42, %add3A_96 : vector<16xi32>
      %bitcast_convert_type3A_98 = tpu.bitcast %add3A_97 : vector<16xi32> -> vector<16xi32>
      %min3A_99 = arith.minui %bitcast_convert_type3A_98, %broadcast_in_dim3A_62 : vector<16xi32>
      %bitcast_convert_type3A_100 = tpu.bitcast %min3A_99 : vector<16xi32> -> vector<16xi32>
      %gather3A_101 = tpu.vector_load_idx %arg4[%bitcast_convert_type3A_100] : memref<17408xf32, #tpu.memory_space<vmem>>[vector<16xi32>], vector<16xf32>,
      %add3A_102 = arith.addf %gather3A_101, %broadcast_in_dim3A_5 : vector<16xf32>
      %add3A_103 = arith.constant 0 : i32
      %add3A_104 = vector.broadcast %add3A_103 : i32 to vector<16xi32>
      %add3A_105 = arith.addi %mul3A_48, %add3A_104 : vector<16xi32>
      %bitcast_convert_type3A_106 = tpu.bitcast %add3A_105 : vector<16xi32> -> vector<16xi32>
      %min3A_107 = arith.minui %bitcast_convert_type3A_106, %broadcast_in_dim3A_62 : vector<16xi32>
      %bitcast_convert_type3A_108 = tpu.bitcast %min3A_107 : vector<16xi32> -> vector<16xi32>
      %gather3A_109 = tpu.vector_load_idx %arg4[%bitcast_convert_type3A_108] : memref<17408xf32, #tpu.memory_space<vmem>>[vector<16xi32>], vector<16xf32>,
      %add3A_110 = arith.addf %gather3A_109, %broadcast_in_dim3A_5 : vector<16xf32>
      %add3A_111 = arith.constant 0 : i32
      %add3A_112 = vector.broadcast %add3A_111 : i32 to vector<16xi32>
      %add3A_113 = arith.addi %mul3A_54, %add3A_112 : vector<16xi32>
      %bitcast_convert_type3A_114 = tpu.bitcast %add3A_113 : vector<16xi32> -> vector<16xi32>
      %min3A_115 = arith.minui %bitcast_convert_type3A_114, %broadcast_in_dim3A_62 : vector<16xi32>
      %bitcast_convert_type3A_116 = tpu.bitcast %min3A_115 : vector<16xi32> -> vector<16xi32>
      %gather3A_117 = tpu.vector_load_idx %arg4[%bitcast_convert_type3A_116] : memref<17408xf32, #tpu.memory_space<vmem>>[vector<16xi32>], vector<16xf32>,
      %add3A_118 = arith.addf %gather3A_117, %broadcast_in_dim3A_5 : vector<16xf32>
      %add3A_119 = arith.constant 0 : i32
      %add3A_120 = vector.broadcast %add3A_119 : i32 to vector<16xi32>
      %add3A_121 = arith.addi %mul3A_60, %add3A_120 : vector<16xi32>
      %bitcast_convert_type3A_122 = tpu.bitcast %add3A_121 : vector<16xi32> -> vector<16xi32>
      %min3A_123 = arith.minui %bitcast_convert_type3A_122, %broadcast_in_dim3A_62 : vector<16xi32>
      %bitcast_convert_type3A_124 = tpu.bitcast %min3A_123 : vector<16xi32> -> vector<16xi32>
      %gather3A_125 = tpu.vector_load_idx %arg4[%bitcast_convert_type3A_124] : memref<17408xf32, #tpu.memory_space<vmem>>[vector<16xi32>], vector<16xf32>,
      %add3A_126 = arith.addf %gather3A_125, %broadcast_in_dim3A_5 : vector<16xf32>
      %broadcast_in_dim3A_127 = vector.shape_cast %and3A_12 : vector<16xi32> to vector<16x1xi32>
      %gather3A_128 = vector.shape_cast %broadcast_in_dim3A_127 : vector<16x1xi32> to vector<16xi32>
      %gather3A_129 = tpu.dynamic_gather %add3A_70[%gather3A_128] in [0] : vector<16xf32>, vector<16xi32> -> vector<16xf32>
      %broadcast_in_dim3A_130 = vector.shape_cast %and3A_12 : vector<16xi32> to vector<16x1xi32>
      %gather3A_131 = vector.shape_cast %broadcast_in_dim3A_130 : vector<16x1xi32> to vector<16xi32>
      %gather3A_132 = tpu.dynamic_gather %add3A_78[%gather3A_131] in [0] : vector<16xf32>, vector<16xi32> -> vector<16xf32>
      %broadcast_in_dim3A_133 = vector.shape_cast %and3A_12 : vector<16xi32> to vector<16x1xi32>
      %gather3A_134 = vector.shape_cast %broadcast_in_dim3A_133 : vector<16x1xi32> to vector<16xi32>
      %gather3A_135 = tpu.dynamic_gather %add3A_86[%gather3A_134] in [0] : vector<16xf32>, vector<16xi32> -> vector<16xf32>
      %broadcast_in_dim3A_136 = vector.shape_cast %and3A_12 : vector<16xi32> to vector<16x1xi32>
      %gather3A_137 = vector.shape_cast %broadcast_in_dim3A_136 : vector<16x1xi32> to vector<16xi32>
      %gather3A_138 = tpu.dynamic_gather %add3A_94[%gather3A_137] in [0] : vector<16xf32>, vector<16xi32> -> vector<16xf32>
      %broadcast_in_dim3A_139 = vector.shape_cast %and3A_12 : vector<16xi32> to vector<16x1xi32>
      %gather3A_140 = vector.shape_cast %broadcast_in_dim3A_139 : vector<16x1xi32> to vector<16xi32>
      %gather3A_141 = tpu.dynamic_gather %add3A_102[%gather3A_140] in [0] : vector<16xf32>, vector<16xi32> -> vector<16xf32>
      %broadcast_in_dim3A_142 = vector.shape_cast %and3A_12 : vector<16xi32> to vector<16x1xi32>
      %gather3A_143 = vector.shape_cast %broadcast_in_dim3A_142 : vector<16x1xi32> to vector<16xi32>
      %gather3A_144 = tpu.dynamic_gather %add3A_110[%gather3A_143] in [0] : vector<16xf32>, vector<16xi32> -> vector<16xf32>
      %broadcast_in_dim3A_145 = vector.shape_cast %and3A_12 : vector<16xi32> to vector<16x1xi32>
      %gather3A_146 = vector.shape_cast %broadcast_in_dim3A_145 : vector<16x1xi32> to vector<16xi32>
      %gather3A_147 = tpu.dynamic_gather %add3A_118[%gather3A_146] in [0] : vector<16xf32>, vector<16xi32> -> vector<16xf32>
      %broadcast_in_dim3A_148 = vector.shape_cast %and3A_12 : vector<16xi32> to vector<16x1xi32>
      %gather3A_149 = vector.shape_cast %broadcast_in_dim3A_148 : vector<16x1xi32> to vector<16xi32>
      %gather3A_150 = tpu.dynamic_gather %add3A_126[%gather3A_149] in [0] : vector<16xf32>, vector<16xi32> -> vector<16xf32>
      %select_n3A_151 = arith.select %eq3A_7, %broadcast_in_dim3A_5, %gather3A_129 : vector<16xi1>, vector<16xf32>
      %select_n3A_152 = arith.select %eq3A_7, %gather3A_129, %gather3A_132 : vector<16xi1>, vector<16xf32>
      %select_n3A_153 = arith.select %eq3A_7, %gather3A_132, %gather3A_135 : vector<16xi1>, vector<16xf32>
      %select_n3A_154 = arith.select %eq3A_7, %gather3A_135, %gather3A_138 : vector<16xi1>, vector<16xf32>
      %select_n3A_155 = arith.select %eq3A_7, %gather3A_138, %gather3A_141 : vector<16xi1>, vector<16xf32>
      %select_n3A_156 = arith.select %eq3A_7, %gather3A_141, %gather3A_144 : vector<16xi1>, vector<16xf32>
      %select_n3A_157 = arith.select %eq3A_7, %gather3A_144, %gather3A_147 : vector<16xi1>, vector<16xf32>
      %select_n3A_158 = arith.select %eq3A_7, %gather3A_147, %gather3A_150 : vector<16xi1>, vector<16xf32>
      %scan3A = arith.constant 1 : i32
      %scan3A_159 = arith.constant 254 : i32
      %scan3A_160 = arith.addi %scan3A, %scan3A_159 : i32
      %scan3A_161 = arith.constant 2 : i32
      %scan3A_162:16 = scf.for %scan3A_181 = %scan3A to %scan3A_160 step %scan3A_161 iter_args(%scan3A_182 = %add3A_70, %scan3A_183 = %add3A_78, %scan3A_184 = %add3A_86, %scan3A_185 = %add3A_94, %scan3A_186 = %add3A_102, %scan3A_187 = %add3A_110, %scan3A_188 = %add3A_118, %scan3A_189 = %add3A_126, %scan3A_190 = %select_n3A_151, %scan3A_191 = %select_n3A_152, %scan3A_192 = %select_n3A_153, %scan3A_193 = %select_n3A_154, %scan3A_194 = %select_n3A_155, %scan3A_195 = %select_n3A_156, %scan3A_196 = %select_n3A_157, %scan3A_197 = %select_n3A_158) -> (vector<16xf32>, vector<16xf32>, vector<16xf32>, vector<16xf32>, vector<16xf32>, vector<16xf32>, vector<16xf32>, vector<16xf32>, vector<16xf32>, vector<16xf32>, vector<16xf32>, vector<16xf32>, vector<16xf32>, vector<16xf32>, vector<16xf32>, vector<16xf32>)  : i32 {
        %mul3A_198 = arith.constant 128 : i32
        %mul3A_199 = arith.muli %scan3A_181, %mul3A_198 : i32
        %add3A_200 = vector.broadcast %mul3A_199 : i32 to vector<16xi32>
        %add3A_201 = arith.addi %mul3A_18, %add3A_200 : vector<16xi32>
        %bitcast_convert_type3A_202 = tpu.bitcast %add3A_201 : vector<16xi32> -> vector<16xi32>
        %min3A_203 = arith.minui %bitcast_convert_type3A_202, %broadcast_in_dim3A_62 : vector<16xi32>
        %bitcast_convert_type3A_204 = tpu.bitcast %min3A_203 : vector<16xi32> -> vector<16xi32>
        %gather3A_205 = tpu.vector_load_idx %arg4[%bitcast_convert_type3A_204] : memref<17408xf32, #tpu.memory_space<vmem>>[vector<16xi32>], vector<16xf32>,
        %min3A_206 = arith.minimumf %scan3A_182, %scan3A_190 : vector<16xf32>
        %add3A_207 = arith.addf %gather3A_205, %min3A_206 : vector<16xf32>
        %min3A_208 = arith.minimumf %add3A_207, %scan3A_182 : vector<16xf32>
        %add3A_209 = vector.broadcast %mul3A_199 : i32 to vector<16xi32>
        %add3A_210 = arith.addi %mul3A_24, %add3A_209 : vector<16xi32>
        %bitcast_convert_type3A_211 = tpu.bitcast %add3A_210 : vector<16xi32> -> vector<16xi32>
        %min3A_212 = arith.minui %bitcast_convert_type3A_211, %broadcast_in_dim3A_62 : vector<16xi32>
        %bitcast_convert_type3A_213 = tpu.bitcast %min3A_212 : vector<16xi32> -> vector<16xi32>
        %gather3A_214 = tpu.vector_load_idx %arg4[%bitcast_convert_type3A_213] : memref<17408xf32, #tpu.memory_space<vmem>>[vector<16xi32>], vector<16xf32>,
        %min3A_215 = arith.minimumf %scan3A_183, %scan3A_191 : vector<16xf32>
        %add3A_216 = arith.addf %gather3A_214, %min3A_215 : vector<16xf32>
        %min3A_217 = arith.minimumf %add3A_216, %scan3A_183 : vector<16xf32>
        %add3A_218 = vector.broadcast %mul3A_199 : i32 to vector<16xi32>
        %add3A_219 = arith.addi %mul3A_30, %add3A_218 : vector<16xi32>
        %bitcast_convert_type3A_220 = tpu.bitcast %add3A_219 : vector<16xi32> -> vector<16xi32>
        %min3A_221 = arith.minui %bitcast_convert_type3A_220, %broadcast_in_dim3A_62 : vector<16xi32>
        %bitcast_convert_type3A_222 = tpu.bitcast %min3A_221 : vector<16xi32> -> vector<16xi32>
        %gather3A_223 = tpu.vector_load_idx %arg4[%bitcast_convert_type3A_222] : memref<17408xf32, #tpu.memory_space<vmem>>[vector<16xi32>], vector<16xf32>,
        %min3A_224 = arith.minimumf %scan3A_184, %scan3A_192 : vector<16xf32>
        %add3A_225 = arith.addf %gather3A_223, %min3A_224 : vector<16xf32>
        %min3A_226 = arith.minimumf %add3A_225, %scan3A_184 : vector<16xf32>
        %add3A_227 = vector.broadcast %mul3A_199 : i32 to vector<16xi32>
        %add3A_228 = arith.addi %mul3A_36, %add3A_227 : vector<16xi32>
        %bitcast_convert_type3A_229 = tpu.bitcast %add3A_228 : vector<16xi32> -> vector<16xi32>
        %min3A_230 = arith.minui %bitcast_convert_type3A_229, %broadcast_in_dim3A_62 : vector<16xi32>
        %bitcast_convert_type3A_231 = tpu.bitcast %min3A_230 : vector<16xi32> -> vector<16xi32>
        %gather3A_232 = tpu.vector_load_idx %arg4[%bitcast_convert_type3A_231] : memref<17408xf32, #tpu.memory_space<vmem>>[vector<16xi32>], vector<16xf32>,
        %min3A_233 = arith.minimumf %scan3A_185, %scan3A_193 : vector<16xf32>
        %add3A_234 = arith.addf %gather3A_232, %min3A_233 : vector<16xf32>
        %min3A_235 = arith.minimumf %add3A_234, %scan3A_185 : vector<16xf32>
        %add3A_236 = vector.broadcast %mul3A_199 : i32 to vector<16xi32>
        %add3A_237 = arith.addi %mul3A_42, %add3A_236 : vector<16xi32>
        %bitcast_convert_type3A_238 = tpu.bitcast %add3A_237 : vector<16xi32> -> vector<16xi32>
        %min3A_239 = arith.minui %bitcast_convert_type3A_238, %broadcast_in_dim3A_62 : vector<16xi32>
        %bitcast_convert_type3A_240 = tpu.bitcast %min3A_239 : vector<16xi32> -> vector<16xi32>
        %gather3A_241 = tpu.vector_load_idx %arg4[%bitcast_convert_type3A_240] : memref<17408xf32, #tpu.memory_space<vmem>>[vector<16xi32>], vector<16xf32>,
        %min3A_242 = arith.minimumf %scan3A_186, %scan3A_194 : vector<16xf32>
        %add3A_243 = arith.addf %gather3A_241, %min3A_242 : vector<16xf32>
        %min3A_244 = arith.minimumf %add3A_243, %scan3A_186 : vector<16xf32>
        %add3A_245 = vector.broadcast %mul3A_199 : i32 to vector<16xi32>
        %add3A_246 = arith.addi %mul3A_48, %add3A_245 : vector<16xi32>
        %bitcast_convert_type3A_247 = tpu.bitcast %add3A_246 : vector<16xi32> -> vector<16xi32>
        %min3A_248 = arith.minui %bitcast_convert_type3A_247, %broadcast_in_dim3A_62 : vector<16xi32>
        %bitcast_convert_type3A_249 = tpu.bitcast %min3A_248 : vector<16xi32> -> vector<16xi32>
        %gather3A_250 = tpu.vector_load_idx %arg4[%bitcast_convert_type3A_249] : memref<17408xf32, #tpu.memory_space<vmem>>[vector<16xi32>], vector<16xf32>,
        %min3A_251 = arith.minimumf %scan3A_187, %scan3A_195 : vector<16xf32>
        %add3A_252 = arith.addf %gather3A_250, %min3A_251 : vector<16xf32>
        %min3A_253 = arith.minimumf %add3A_252, %scan3A_187 : vector<16xf32>
        %add3A_254 = vector.broadcast %mul3A_199 : i32 to vector<16xi32>
        %add3A_255 = arith.addi %mul3A_54, %add3A_254 : vector<16xi32>
        %bitcast_convert_type3A_256 = tpu.bitcast %add3A_255 : vector<16xi32> -> vector<16xi32>
        %min3A_257 = arith.minui %bitcast_convert_type3A_256, %broadcast_in_dim3A_62 : vector<16xi32>
        %bitcast_convert_type3A_258 = tpu.bitcast %min3A_257 : vector<16xi32> -> vector<16xi32>
        %gather3A_259 = tpu.vector_load_idx %arg4[%bitcast_convert_type3A_258] : memref<17408xf32, #tpu.memory_space<vmem>>[vector<16xi32>], vector<16xf32>,
        %min3A_260 = arith.minimumf %scan3A_188, %scan3A_196 : vector<16xf32>
        %add3A_261 = arith.addf %gather3A_259, %min3A_260 : vector<16xf32>
        %min3A_262 = arith.minimumf %add3A_261, %scan3A_188 : vector<16xf32>
        %add3A_263 = vector.broadcast %mul3A_199 : i32 to vector<16xi32>
        %add3A_264 = arith.addi %mul3A_60, %add3A_263 : vector<16xi32>
        %bitcast_convert_type3A_265 = tpu.bitcast %add3A_264 : vector<16xi32> -> vector<16xi32>
        %min3A_266 = arith.minui %bitcast_convert_type3A_265, %broadcast_in_dim3A_62 : vector<16xi32>
        %bitcast_convert_type3A_267 = tpu.bitcast %min3A_266 : vector<16xi32> -> vector<16xi32>
        %gather3A_268 = tpu.vector_load_idx %arg4[%bitcast_convert_type3A_267] : memref<17408xf32, #tpu.memory_space<vmem>>[vector<16xi32>], vector<16xf32>,
        %min3A_269 = arith.minimumf %scan3A_189, %scan3A_197 : vector<16xf32>
        %add3A_270 = arith.addf %gather3A_268, %min3A_269 : vector<16xf32>
        %min3A_271 = arith.minimumf %add3A_270, %scan3A_189 : vector<16xf32>
        %broadcast_in_dim3A_272 = vector.shape_cast %and3A_12 : vector<16xi32> to vector<16x1xi32>
        %gather3A_273 = vector.shape_cast %broadcast_in_dim3A_272 : vector<16x1xi32> to vector<16xi32>
        %gather3A_274 = tpu.dynamic_gather %min3A_208[%gather3A_273] in [0] : vector<16xf32>, vector<16xi32> -> vector<16xf32>
        %broadcast_in_dim3A_275 = vector.shape_cast %and3A_12 : vector<16xi32> to vector<16x1xi32>
        %gather3A_276 = vector.shape_cast %broadcast_in_dim3A_275 : vector<16x1xi32> to vector<16xi32>
        %gather3A_277 = tpu.dynamic_gather %min3A_217[%gather3A_276] in [0] : vector<16xf32>, vector<16xi32> -> vector<16xf32>
        %broadcast_in_dim3A_278 = vector.shape_cast %and3A_12 : vector<16xi32> to vector<16x1xi32>
        %gather3A_279 = vector.shape_cast %broadcast_in_dim3A_278 : vector<16x1xi32> to vector<16xi32>
        %gather3A_280 = tpu.dynamic_gather %min3A_226[%gather3A_279] in [0] : vector<16xf32>, vector<16xi32> -> vector<16xf32>
        %broadcast_in_dim3A_281 = vector.shape_cast %and3A_12 : vector<16xi32> to vector<16x1xi32>
        %gather3A_282 = vector.shape_cast %broadcast_in_dim3A_281 : vector<16x1xi32> to vector<16xi32>
        %gather3A_283 = tpu.dynamic_gather %min3A_235[%gather3A_282] in [0] : vector<16xf32>, vector<16xi32> -> vector<16xf32>
        %broadcast_in_dim3A_284 = vector.shape_cast %and3A_12 : vector<16xi32> to vector<16x1xi32>
        %gather3A_285 = vector.shape_cast %broadcast_in_dim3A_284 : vector<16x1xi32> to vector<16xi32>
        %gather3A_286 = tpu.dynamic_gather %min3A_244[%gather3A_285] in [0] : vector<16xf32>, vector<16xi32> -> vector<16xf32>
        %broadcast_in_dim3A_287 = vector.shape_cast %and3A_12 : vector<16xi32> to vector<16x1xi32>
        %gather3A_288 = vector.shape_cast %broadcast_in_dim3A_287 : vector<16x1xi32> to vector<16xi32>
        %gather3A_289 = tpu.dynamic_gather %min3A_253[%gather3A_288] in [0] : vector<16xf32>, vector<16xi32> -> vector<16xf32>
        %broadcast_in_dim3A_290 = vector.shape_cast %and3A_12 : vector<16xi32> to vector<16x1xi32>
        %gather3A_291 = vector.shape_cast %broadcast_in_dim3A_290 : vector<16x1xi32> to vector<16xi32>
        %gather3A_292 = tpu.dynamic_gather %min3A_262[%gather3A_291] in [0] : vector<16xf32>, vector<16xi32> -> vector<16xf32>
        %broadcast_in_dim3A_293 = vector.shape_cast %and3A_12 : vector<16xi32> to vector<16x1xi32>
        %gather3A_294 = vector.shape_cast %broadcast_in_dim3A_293 : vector<16x1xi32> to vector<16xi32>
        %gather3A_295 = tpu.dynamic_gather %min3A_271[%gather3A_294] in [0] : vector<16xf32>, vector<16xi32> -> vector<16xf32>
        %select_n3A_296 = arith.select %eq3A_7, %broadcast_in_dim3A_5, %gather3A_274 : vector<16xi1>, vector<16xf32>
        %select_n3A_297 = arith.select %eq3A_7, %gather3A_274, %gather3A_277 : vector<16xi1>, vector<16xf32>
        %select_n3A_298 = arith.select %eq3A_7, %gather3A_277, %gather3A_280 : vector<16xi1>, vector<16xf32>
        %select_n3A_299 = arith.select %eq3A_7, %gather3A_280, %gather3A_283 : vector<16xi1>, vector<16xf32>
        %select_n3A_300 = arith.select %eq3A_7, %gather3A_283, %gather3A_286 : vector<16xi1>, vector<16xf32>
        %select_n3A_301 = arith.select %eq3A_7, %gather3A_286, %gather3A_289 : vector<16xi1>, vector<16xf32>
        %select_n3A_302 = arith.select %eq3A_7, %gather3A_289, %gather3A_292 : vector<16xi1>, vector<16xf32>
        %select_n3A_303 = arith.select %eq3A_7, %gather3A_292, %gather3A_295 : vector<16xi1>, vector<16xf32>
        %scan3A_304 = arith.constant 1 : i32
        %scan3A_305 = arith.addi %scan3A_181, %scan3A_304 : i32
        %mul3A_306 = arith.constant 128 : i32
        %mul3A_307 = arith.muli %scan3A_305, %mul3A_306 : i32
        %add3A_308 = vector.broadcast %mul3A_307 : i32 to vector<16xi32>
        %add3A_309 = arith.addi %mul3A_18, %add3A_308 : vector<16xi32>
        %bitcast_convert_type3A_310 = tpu.bitcast %add3A_309 : vector<16xi32> -> vector<16xi32>
        %min3A_311 = arith.minui %bitcast_convert_type3A_310, %broadcast_in_dim3A_62 : vector<16xi32>
        %bitcast_convert_type3A_312 = tpu.bitcast %min3A_311 : vector<16xi32> -> vector<16xi32>
        %gather3A_313 = tpu.vector_load_idx %arg4[%bitcast_convert_type3A_312] : memref<17408xf32, #tpu.memory_space<vmem>>[vector<16xi32>], vector<16xf32>,
        %min3A_314 = arith.minimumf %add3A_207, %select_n3A_296 : vector<16xf32>
        %add3A_315 = arith.addf %gather3A_313, %min3A_314 : vector<16xf32>
        %min3A_316 = arith.minimumf %add3A_315, %add3A_207 : vector<16xf32>
        %add3A_317 = vector.broadcast %mul3A_307 : i32 to vector<16xi32>
        %add3A_318 = arith.addi %mul3A_24, %add3A_317 : vector<16xi32>
        %bitcast_convert_type3A_319 = tpu.bitcast %add3A_318 : vector<16xi32> -> vector<16xi32>
        %min3A_320 = arith.minui %bitcast_convert_type3A_319, %broadcast_in_dim3A_62 : vector<16xi32>
        %bitcast_convert_type3A_321 = tpu.bitcast %min3A_320 : vector<16xi32> -> vector<16xi32>
        %gather3A_322 = tpu.vector_load_idx %arg4[%bitcast_convert_type3A_321] : memref<17408xf32, #tpu.memory_space<vmem>>[vector<16xi32>], vector<16xf32>,
        %min3A_323 = arith.minimumf %add3A_216, %select_n3A_297 : vector<16xf32>
        %add3A_324 = arith.addf %gather3A_322, %min3A_323 : vector<16xf32>
        %min3A_325 = arith.minimumf %add3A_324, %add3A_216 : vector<16xf32>
        %add3A_326 = vector.broadcast %mul3A_307 : i32 to vector<16xi32>
        %add3A_327 = arith.addi %mul3A_30, %add3A_326 : vector<16xi32>
        %bitcast_convert_type3A_328 = tpu.bitcast %add3A_327 : vector<16xi32> -> vector<16xi32>
        %min3A_329 = arith.minui %bitcast_convert_type3A_328, %broadcast_in_dim3A_62 : vector<16xi32>
        %bitcast_convert_type3A_330 = tpu.bitcast %min3A_329 : vector<16xi32> -> vector<16xi32>
        %gather3A_331 = tpu.vector_load_idx %arg4[%bitcast_convert_type3A_330] : memref<17408xf32, #tpu.memory_space<vmem>>[vector<16xi32>], vector<16xf32>,
        %min3A_332 = arith.minimumf %add3A_225, %select_n3A_298 : vector<16xf32>
        %add3A_333 = arith.addf %gather3A_331, %min3A_332 : vector<16xf32>
        %min3A_334 = arith.minimumf %add3A_333, %add3A_225 : vector<16xf32>
        %add3A_335 = vector.broadcast %mul3A_307 : i32 to vector<16xi32>
        %add3A_336 = arith.addi %mul3A_36, %add3A_335 : vector<16xi32>
        %bitcast_convert_type3A_337 = tpu.bitcast %add3A_336 : vector<16xi32> -> vector<16xi32>
        %min3A_338 = arith.minui %bitcast_convert_type3A_337, %broadcast_in_dim3A_62 : vector<16xi32>
        %bitcast_convert_type3A_339 = tpu.bitcast %min3A_338 : vector<16xi32> -> vector<16xi32>
        %gather3A_340 = tpu.vector_load_idx %arg4[%bitcast_convert_type3A_339] : memref<17408xf32, #tpu.memory_space<vmem>>[vector<16xi32>], vector<16xf32>,
        %min3A_341 = arith.minimumf %add3A_234, %select_n3A_299 : vector<16xf32>
        %add3A_342 = arith.addf %gather3A_340, %min3A_341 : vector<16xf32>
        %min3A_343 = arith.minimumf %add3A_342, %add3A_234 : vector<16xf32>
        %add3A_344 = vector.broadcast %mul3A_307 : i32 to vector<16xi32>
        %add3A_345 = arith.addi %mul3A_42, %add3A_344 : vector<16xi32>
        %bitcast_convert_type3A_346 = tpu.bitcast %add3A_345 : vector<16xi32> -> vector<16xi32>
        %min3A_347 = arith.minui %bitcast_convert_type3A_346, %broadcast_in_dim3A_62 : vector<16xi32>
        %bitcast_convert_type3A_348 = tpu.bitcast %min3A_347 : vector<16xi32> -> vector<16xi32>
        %gather3A_349 = tpu.vector_load_idx %arg4[%bitcast_convert_type3A_348] : memref<17408xf32, #tpu.memory_space<vmem>>[vector<16xi32>], vector<16xf32>,
        %min3A_350 = arith.minimumf %add3A_243, %select_n3A_300 : vector<16xf32>
        %add3A_351 = arith.addf %gather3A_349, %min3A_350 : vector<16xf32>
        %min3A_352 = arith.minimumf %add3A_351, %add3A_243 : vector<16xf32>
        %add3A_353 = vector.broadcast %mul3A_307 : i32 to vector<16xi32>
        %add3A_354 = arith.addi %mul3A_48, %add3A_353 : vector<16xi32>
        %bitcast_convert_type3A_355 = tpu.bitcast %add3A_354 : vector<16xi32> -> vector<16xi32>
        %min3A_356 = arith.minui %bitcast_convert_type3A_355, %broadcast_in_dim3A_62 : vector<16xi32>
        %bitcast_convert_type3A_357 = tpu.bitcast %min3A_356 : vector<16xi32> -> vector<16xi32>
        %gather3A_358 = tpu.vector_load_idx %arg4[%bitcast_convert_type3A_357] : memref<17408xf32, #tpu.memory_space<vmem>>[vector<16xi32>], vector<16xf32>,
        %min3A_359 = arith.minimumf %add3A_252, %select_n3A_301 : vector<16xf32>
        %add3A_360 = arith.addf %gather3A_358, %min3A_359 : vector<16xf32>
        %min3A_361 = arith.minimumf %add3A_360, %add3A_252 : vector<16xf32>
        %add3A_362 = vector.broadcast %mul3A_307 : i32 to vector<16xi32>
        %add3A_363 = arith.addi %mul3A_54, %add3A_362 : vector<16xi32>
        %bitcast_convert_type3A_364 = tpu.bitcast %add3A_363 : vector<16xi32> -> vector<16xi32>
        %min3A_365 = arith.minui %bitcast_convert_type3A_364, %broadcast_in_dim3A_62 : vector<16xi32>
        %bitcast_convert_type3A_366 = tpu.bitcast %min3A_365 : vector<16xi32> -> vector<16xi32>
        %gather3A_367 = tpu.vector_load_idx %arg4[%bitcast_convert_type3A_366] : memref<17408xf32, #tpu.memory_space<vmem>>[vector<16xi32>], vector<16xf32>,
        %min3A_368 = arith.minimumf %add3A_261, %select_n3A_302 : vector<16xf32>
        %add3A_369 = arith.addf %gather3A_367, %min3A_368 : vector<16xf32>
        %min3A_370 = arith.minimumf %add3A_369, %add3A_261 : vector<16xf32>
        %add3A_371 = vector.broadcast %mul3A_307 : i32 to vector<16xi32>
        %add3A_372 = arith.addi %mul3A_60, %add3A_371 : vector<16xi32>
        %bitcast_convert_type3A_373 = tpu.bitcast %add3A_372 : vector<16xi32> -> vector<16xi32>
        %min3A_374 = arith.minui %bitcast_convert_type3A_373, %broadcast_in_dim3A_62 : vector<16xi32>
        %bitcast_convert_type3A_375 = tpu.bitcast %min3A_374 : vector<16xi32> -> vector<16xi32>
        %gather3A_376 = tpu.vector_load_idx %arg4[%bitcast_convert_type3A_375] : memref<17408xf32, #tpu.memory_space<vmem>>[vector<16xi32>], vector<16xf32>,
        %min3A_377 = arith.minimumf %add3A_270, %select_n3A_303 : vector<16xf32>
        %add3A_378 = arith.addf %gather3A_376, %min3A_377 : vector<16xf32>
        %min3A_379 = arith.minimumf %add3A_378, %add3A_270 : vector<16xf32>
        %broadcast_in_dim3A_380 = vector.shape_cast %and3A_12 : vector<16xi32> to vector<16x1xi32>
        %gather3A_381 = vector.shape_cast %broadcast_in_dim3A_380 : vector<16x1xi32> to vector<16xi32>
        %gather3A_382 = tpu.dynamic_gather %min3A_316[%gather3A_381] in [0] : vector<16xf32>, vector<16xi32> -> vector<16xf32>
        %broadcast_in_dim3A_383 = vector.shape_cast %and3A_12 : vector<16xi32> to vector<16x1xi32>
        %gather3A_384 = vector.shape_cast %broadcast_in_dim3A_383 : vector<16x1xi32> to vector<16xi32>
        %gather3A_385 = tpu.dynamic_gather %min3A_325[%gather3A_384] in [0] : vector<16xf32>, vector<16xi32> -> vector<16xf32>
        %broadcast_in_dim3A_386 = vector.shape_cast %and3A_12 : vector<16xi32> to vector<16x1xi32>
        %gather3A_387 = vector.shape_cast %broadcast_in_dim3A_386 : vector<16x1xi32> to vector<16xi32>
        %gather3A_388 = tpu.dynamic_gather %min3A_334[%gather3A_387] in [0] : vector<16xf32>, vector<16xi32> -> vector<16xf32>
        %broadcast_in_dim3A_389 = vector.shape_cast %and3A_12 : vector<16xi32> to vector<16x1xi32>
        %gather3A_390 = vector.shape_cast %broadcast_in_dim3A_389 : vector<16x1xi32> to vector<16xi32>
        %gather3A_391 = tpu.dynamic_gather %min3A_343[%gather3A_390] in [0] : vector<16xf32>, vector<16xi32> -> vector<16xf32>
        %broadcast_in_dim3A_392 = vector.shape_cast %and3A_12 : vector<16xi32> to vector<16x1xi32>
        %gather3A_393 = vector.shape_cast %broadcast_in_dim3A_392 : vector<16x1xi32> to vector<16xi32>
        %gather3A_394 = tpu.dynamic_gather %min3A_352[%gather3A_393] in [0] : vector<16xf32>, vector<16xi32> -> vector<16xf32>
        %broadcast_in_dim3A_395 = vector.shape_cast %and3A_12 : vector<16xi32> to vector<16x1xi32>
        %gather3A_396 = vector.shape_cast %broadcast_in_dim3A_395 : vector<16x1xi32> to vector<16xi32>
        %gather3A_397 = tpu.dynamic_gather %min3A_361[%gather3A_396] in [0] : vector<16xf32>, vector<16xi32> -> vector<16xf32>
        %broadcast_in_dim3A_398 = vector.shape_cast %and3A_12 : vector<16xi32> to vector<16x1xi32>
        %gather3A_399 = vector.shape_cast %broadcast_in_dim3A_398 : vector<16x1xi32> to vector<16xi32>
        %gather3A_400 = tpu.dynamic_gather %min3A_370[%gather3A_399] in [0] : vector<16xf32>, vector<16xi32> -> vector<16xf32>
        %broadcast_in_dim3A_401 = vector.shape_cast %and3A_12 : vector<16xi32> to vector<16x1xi32>
        %gather3A_402 = vector.shape_cast %broadcast_in_dim3A_401 : vector<16x1xi32> to vector<16xi32>
        %gather3A_403 = tpu.dynamic_gather %min3A_379[%gather3A_402] in [0] : vector<16xf32>, vector<16xi32> -> vector<16xf32>
        %select_n3A_404 = arith.select %eq3A_7, %broadcast_in_dim3A_5, %gather3A_382 : vector<16xi1>, vector<16xf32>
        %select_n3A_405 = arith.select %eq3A_7, %gather3A_382, %gather3A_385 : vector<16xi1>, vector<16xf32>
        %select_n3A_406 = arith.select %eq3A_7, %gather3A_385, %gather3A_388 : vector<16xi1>, vector<16xf32>
        %select_n3A_407 = arith.select %eq3A_7, %gather3A_388, %gather3A_391 : vector<16xi1>, vector<16xf32>
        %select_n3A_408 = arith.select %eq3A_7, %gather3A_391, %gather3A_394 : vector<16xi1>, vector<16xf32>
        %select_n3A_409 = arith.select %eq3A_7, %gather3A_394, %gather3A_397 : vector<16xi1>, vector<16xf32>
        %select_n3A_410 = arith.select %eq3A_7, %gather3A_397, %gather3A_400 : vector<16xi1>, vector<16xf32>
        %select_n3A_411 = arith.select %eq3A_7, %gather3A_400, %gather3A_403 : vector<16xi1>, vector<16xf32>
        scf.yield %add3A_315, %add3A_324, %add3A_333, %add3A_342, %add3A_351, %add3A_360, %add3A_369, %add3A_378, %select_n3A_404, %select_n3A_405, %select_n3A_406, %select_n3A_407, %select_n3A_408, %select_n3A_409, %select_n3A_410, %select_n3A_411 : vector<16xf32>, vector<16xf32>, vector<16xf32>, vector<16xf32>, vector<16xf32>, vector<16xf32>, vector<16xf32>, vector<16xf32>, vector<16xf32>, vector<16xf32>, vector<16xf32>, vector<16xf32>, vector<16xf32>, vector<16xf32>, vector<16xf32>, vector<16xf32>
      }
      %scan3A_163 = arith.constant 254 : i32
      %swap3A = arith.constant 0 : index
      %swap3A_164 = tpu.vector_load %arg5[%swap3A] {strides = array<i32>} : memref<128xf32, #tpu.memory_space<vmem>>, vector<16xf32>,
      tpu.vector_store %arg5[%swap3A], %scan3A_162#0 {strides = array<i32>} : memref<128xf32, #tpu.memory_space<vmem>>, vector<16xf32>,
      %swap3A_165 = arith.constant 16 : index
      %swap3A_166 = tpu.vector_load %arg5[%swap3A_165] {strides = array<i32>} : memref<128xf32, #tpu.memory_space<vmem>>, vector<16xf32>,
      tpu.vector_store %arg5[%swap3A_165], %scan3A_162#1 {strides = array<i32>} : memref<128xf32, #tpu.memory_space<vmem>>, vector<16xf32>,
      %swap3A_167 = arith.constant 32 : index
      %swap3A_168 = tpu.vector_load %arg5[%swap3A_167] {strides = array<i32>} : memref<128xf32, #tpu.memory_space<vmem>>, vector<16xf32>,
      tpu.vector_store %arg5[%swap3A_167], %scan3A_162#2 {strides = array<i32>} : memref<128xf32, #tpu.memory_space<vmem>>, vector<16xf32>,
      %swap3A_169 = arith.constant 48 : index
      %swap3A_170 = tpu.vector_load %arg5[%swap3A_169] {strides = array<i32>} : memref<128xf32, #tpu.memory_space<vmem>>, vector<16xf32>,
      tpu.vector_store %arg5[%swap3A_169], %scan3A_162#3 {strides = array<i32>} : memref<128xf32, #tpu.memory_space<vmem>>, vector<16xf32>,
      %swap3A_171 = arith.constant 64 : index
      %swap3A_172 = tpu.vector_load %arg5[%swap3A_171] {strides = array<i32>} : memref<128xf32, #tpu.memory_space<vmem>>, vector<16xf32>,
      tpu.vector_store %arg5[%swap3A_171], %scan3A_162#4 {strides = array<i32>} : memref<128xf32, #tpu.memory_space<vmem>>, vector<16xf32>,
      %swap3A_173 = arith.constant 80 : index
      %swap3A_174 = tpu.vector_load %arg5[%swap3A_173] {strides = array<i32>} : memref<128xf32, #tpu.memory_space<vmem>>, vector<16xf32>,
      tpu.vector_store %arg5[%swap3A_173], %scan3A_162#5 {strides = array<i32>} : memref<128xf32, #tpu.memory_space<vmem>>, vector<16xf32>,
      %swap3A_175 = arith.constant 96 : index
      %swap3A_176 = tpu.vector_load %arg5[%swap3A_175] {strides = array<i32>} : memref<128xf32, #tpu.memory_space<vmem>>, vector<16xf32>,
      tpu.vector_store %arg5[%swap3A_175], %scan3A_162#6 {strides = array<i32>} : memref<128xf32, #tpu.memory_space<vmem>>, vector<16xf32>,
      %swap3A_177 = arith.constant 112 : index
      %swap3A_178 = tpu.vector_load %arg5[%swap3A_177] {strides = array<i32>} : memref<128xf32, #tpu.memory_space<vmem>>, vector<16xf32>,
      tpu.vector_store %arg5[%swap3A_177], %scan3A_162#7 {strides = array<i32>} : memref<128xf32, #tpu.memory_space<vmem>>, vector<16xf32>,
      %mul3A_179 = arith.constant 128 : i32
      %mul3A_180 = arith.muli %add3A, %mul3A_179 : i32
      "tpu.region"() ({
        %run_scoped3A = tpu.sem_alloc : memref<!tpu.dma_semaphore, #tpu.memory_space<semaphore_mem>>
        %dma_start3A = tpu.memref_slice %arg3[%mul3A_180] : memref<2048xf32, #tpu.memory_space<hbm>> -> memref<128xf32, #tpu.memory_space<hbm>>
        %dma_start3A_181 = tpu.memref_slice %arg3[%mul3A_180] : memref<2048xf32, #tpu.memory_space<hbm>> -> memref<128xf32, #tpu.memory_space<hbm>>
        tpu.enqueue_dma source(%arg5 : memref<128xf32, #tpu.memory_space<vmem>>) target(%dma_start3A_181 : memref<128xf32, #tpu.memory_space<hbm>>) target_semaphore(%run_scoped3A : memref<!tpu.dma_semaphore, #tpu.memory_space<semaphore_mem>>)
        %dma_wait3A = tpu.memref_slice %arg3[%mul3A_180] : memref<2048xf32, #tpu.memory_space<hbm>> -> memref<128xf32, #tpu.memory_space<hbm>>
        %dma_wait3A_182 = tpu.memref_slice %arg3[%mul3A_180] : memref<2048xf32, #tpu.memory_space<hbm>> -> memref<128xf32, #tpu.memory_space<hbm>>
        tpu.wait_dma2 semaphore(%run_scoped3A : memref<!tpu.dma_semaphore, #tpu.memory_space<semaphore_mem>>) src(%arg5 : memref<128xf32, #tpu.memory_space<vmem>>) dst(%dma_wait3A_182 : memref<128xf32, #tpu.memory_space<hbm>>)
        tpu.yield
      }) : () -> ()
    } else {
    }
    return
  }
}

module attributes {stable_mosaic.version = 14 : i64} {
  func.func @_stage1_tc_kernel(%arg0: memref<16x128x64xf32, #tpu.memory_space<vmem>>, %arg1: memref<16x128x64xf32, #tpu.memory_space<vmem>>, %arg2: memref<16x136x128xf32, #tpu.memory_space<vmem>>) attributes {dimension_semantics = [], scalar_prefetch = 0 : i64, scratch_operands = 0 : i64, tpu.core_type = #tpu.core_type<tc>} {
    %broadcast_in_dim3A = arith.constant 1.000000e+00 : f32
    %broadcast_in_dim3A_0 = vector.broadcast %broadcast_in_dim3A : f32 to vector<1x64xf32>
    %broadcast_in_dim3A_1 = arith.constant 1.000000e+09 : f32
    %broadcast_in_dim3A_2 = vector.broadcast %broadcast_in_dim3A_1 : f32 to vector<8x128xf32>
    %get3A = arith.constant 0 : index
    %get3A_3 = arith.constant 0 : index
    %get3A_4 = arith.constant 0 : index
    %get3A_5 = vector.load %arg0[%get3A, %get3A_3, %get3A_4] : memref<16x128x64xf32, #tpu.memory_space<vmem>>, vector<1x128x64xf32>
    %get3A_6 = vector.shape_cast %get3A_5 : vector<1x128x64xf32> to vector<128x64xf32>
    %get3A_7 = arith.constant 0 : index
    %get3A_8 = arith.constant 0 : index
    %get3A_9 = arith.constant 0 : index
    %get3A_10 = vector.load %arg1[%get3A_7, %get3A_8, %get3A_9] : memref<16x128x64xf32, #tpu.memory_space<vmem>>, vector<1x128x64xf32>
    %get3A_11 = vector.shape_cast %get3A_10 : vector<1x128x64xf32> to vector<128x64xf32>
    %mul3A = arith.mulf %get3A_6, %get3A_6 : vector<128x64xf32>
    %dot_general3A = arith.constant dense<0.000000e+00> : vector<1x128xf32>
    %dot_general3A_12 = tpu.matmul %broadcast_in_dim3A_0, %mul3A, %dot_general3A {dimension_numbers = #tpu.dot_dimension_numbers<[1], [1], [0], [0], [0, 0, 1, 0], [], []>, transpose_lhs_hint = false} : vector<1x64xf32>, vector<128x64xf32>, vector<1x128xf32> -> vector<1x128xf32>
    %mul3A_13 = arith.mulf %get3A_11, %get3A_11 : vector<128x64xf32>
    %reduce_sum3A = arith.constant dense<0.000000e+00> : vector<128xf32>
    %reduce_sum3A_14 = vector.multi_reduction <add>, %mul3A_13, %reduce_sum3A [1] : vector<128x64xf32> to vector<128xf32>
    %broadcast_in_dim3A_15 = vector.shape_cast %reduce_sum3A_14 : vector<128xf32> to vector<128x1xf32>
    %dot_general3A_16 = arith.constant dense<0.000000e+00> : vector<128x128xf32>
    %dot_general3A_17 = tpu.matmul %get3A_11, %get3A_6, %dot_general3A_16 {dimension_numbers = #tpu.dot_dimension_numbers<[1], [1], [0], [0], [0, 0, 1, 0], [], []>, transpose_lhs_hint = false} : vector<128x64xf32>, vector<128x64xf32>, vector<128x128xf32> -> vector<128x128xf32>
    %add3A = vector.broadcast %broadcast_in_dim3A_15 : vector<128x1xf32> to vector<128x128xf32>
    %add3A_18 = vector.broadcast %dot_general3A_12 : vector<1x128xf32> to vector<128x128xf32>
    %add3A_19 = arith.addf %add3A, %add3A_18 : vector<128x128xf32>
    %mul3A_20 = arith.constant 2.000000e+00 : f32
    %mul3A_21 = vector.broadcast %mul3A_20 : f32 to vector<128x128xf32>
    %mul3A_22 = arith.mulf %mul3A_21, %dot_general3A_17 : vector<128x128xf32>
    %sub3A = arith.subf %add3A_19, %mul3A_22 : vector<128x128xf32>
    %concatenate3A = tpu.concatenate %sub3A, %broadcast_in_dim3A_2 in 0 : vector<128x128xf32>, vector<8x128xf32> -> vector<136x128xf32>
    %swap3A = arith.constant 0 : index
    %swap3A_23 = arith.constant 0 : index
    %swap3A_24 = arith.constant 0 : index
    %swap3A_25 = vector.load %arg2[%swap3A, %swap3A_23, %swap3A_24] : memref<16x136x128xf32, #tpu.memory_space<vmem>>, vector<1x136x128xf32>
    %swap3A_26 = vector.shape_cast %swap3A_25 : vector<1x136x128xf32> to vector<136x128xf32>
    %swap3A_27 = vector.shape_cast %concatenate3A : vector<136x128xf32> to vector<1x136x128xf32>
    tpu.vector_store %arg2[%swap3A, %swap3A_23, %swap3A_24], %swap3A_27 {strides = array<i32>} : memref<16x136x128xf32, #tpu.memory_space<vmem>>, vector<1x136x128xf32>,
    %get3A_28 = arith.constant 1 : index
    %get3A_29 = arith.constant 0 : index
    %get3A_30 = arith.constant 0 : index
    %get3A_31 = vector.load %arg0[%get3A_28, %get3A_29, %get3A_30] : memref<16x128x64xf32, #tpu.memory_space<vmem>>, vector<1x128x64xf32>
    %get3A_32 = vector.shape_cast %get3A_31 : vector<1x128x64xf32> to vector<128x64xf32>
    %get3A_33 = arith.constant 1 : index
    %get3A_34 = arith.constant 0 : index
    %get3A_35 = arith.constant 0 : index
    %get3A_36 = vector.load %arg1[%get3A_33, %get3A_34, %get3A_35] : memref<16x128x64xf32, #tpu.memory_space<vmem>>, vector<1x128x64xf32>
    %get3A_37 = vector.shape_cast %get3A_36 : vector<1x128x64xf32> to vector<128x64xf32>
    %mul3A_38 = arith.mulf %get3A_32, %get3A_32 : vector<128x64xf32>
    %dot_general3A_39 = arith.constant dense<0.000000e+00> : vector<1x128xf32>
    %dot_general3A_40 = tpu.matmul %broadcast_in_dim3A_0, %mul3A_38, %dot_general3A_39 {dimension_numbers = #tpu.dot_dimension_numbers<[1], [1], [0], [0], [0, 0, 1, 0], [], []>, transpose_lhs_hint = false} : vector<1x64xf32>, vector<128x64xf32>, vector<1x128xf32> -> vector<1x128xf32>
    %mul3A_41 = arith.mulf %get3A_37, %get3A_37 : vector<128x64xf32>
    %reduce_sum3A_42 = arith.constant dense<0.000000e+00> : vector<128xf32>
    %reduce_sum3A_43 = vector.multi_reduction <add>, %mul3A_41, %reduce_sum3A_42 [1] : vector<128x64xf32> to vector<128xf32>
    %broadcast_in_dim3A_44 = vector.shape_cast %reduce_sum3A_43 : vector<128xf32> to vector<128x1xf32>
    %dot_general3A_45 = arith.constant dense<0.000000e+00> : vector<128x128xf32>
    %dot_general3A_46 = tpu.matmul %get3A_37, %get3A_32, %dot_general3A_45 {dimension_numbers = #tpu.dot_dimension_numbers<[1], [1], [0], [0], [0, 0, 1, 0], [], []>, transpose_lhs_hint = false} : vector<128x64xf32>, vector<128x64xf32>, vector<128x128xf32> -> vector<128x128xf32>
    %add3A_47 = vector.broadcast %broadcast_in_dim3A_44 : vector<128x1xf32> to vector<128x128xf32>
    %add3A_48 = vector.broadcast %dot_general3A_40 : vector<1x128xf32> to vector<128x128xf32>
    %add3A_49 = arith.addf %add3A_47, %add3A_48 : vector<128x128xf32>
    %mul3A_50 = arith.constant 2.000000e+00 : f32
    %mul3A_51 = vector.broadcast %mul3A_50 : f32 to vector<128x128xf32>
    %mul3A_52 = arith.mulf %mul3A_51, %dot_general3A_46 : vector<128x128xf32>
    %sub3A_53 = arith.subf %add3A_49, %mul3A_52 : vector<128x128xf32>
    %concatenate3A_54 = tpu.concatenate %sub3A_53, %broadcast_in_dim3A_2 in 0 : vector<128x128xf32>, vector<8x128xf32> -> vector<136x128xf32>
    %swap3A_55 = arith.constant 1 : index
    %swap3A_56 = arith.constant 0 : index
    %swap3A_57 = arith.constant 0 : index
    %swap3A_58 = vector.load %arg2[%swap3A_55, %swap3A_56, %swap3A_57] : memref<16x136x128xf32, #tpu.memory_space<vmem>>, vector<1x136x128xf32>
    %swap3A_59 = vector.shape_cast %swap3A_58 : vector<1x136x128xf32> to vector<136x128xf32>
    %swap3A_60 = vector.shape_cast %concatenate3A_54 : vector<136x128xf32> to vector<1x136x128xf32>
    tpu.vector_store %arg2[%swap3A_55, %swap3A_56, %swap3A_57], %swap3A_60 {strides = array<i32>} : memref<16x136x128xf32, #tpu.memory_space<vmem>>, vector<1x136x128xf32>,
    %get3A_61 = arith.constant 2 : index
    %get3A_62 = arith.constant 0 : index
    %get3A_63 = arith.constant 0 : index
    %get3A_64 = vector.load %arg0[%get3A_61, %get3A_62, %get3A_63] : memref<16x128x64xf32, #tpu.memory_space<vmem>>, vector<1x128x64xf32>
    %get3A_65 = vector.shape_cast %get3A_64 : vector<1x128x64xf32> to vector<128x64xf32>
    %get3A_66 = arith.constant 2 : index
    %get3A_67 = arith.constant 0 : index
    %get3A_68 = arith.constant 0 : index
    %get3A_69 = vector.load %arg1[%get3A_66, %get3A_67, %get3A_68] : memref<16x128x64xf32, #tpu.memory_space<vmem>>, vector<1x128x64xf32>
    %get3A_70 = vector.shape_cast %get3A_69 : vector<1x128x64xf32> to vector<128x64xf32>
    %mul3A_71 = arith.mulf %get3A_65, %get3A_65 : vector<128x64xf32>
    %dot_general3A_72 = arith.constant dense<0.000000e+00> : vector<1x128xf32>
    %dot_general3A_73 = tpu.matmul %broadcast_in_dim3A_0, %mul3A_71, %dot_general3A_72 {dimension_numbers = #tpu.dot_dimension_numbers<[1], [1], [0], [0], [0, 0, 1, 0], [], []>, transpose_lhs_hint = false} : vector<1x64xf32>, vector<128x64xf32>, vector<1x128xf32> -> vector<1x128xf32>
    %mul3A_74 = arith.mulf %get3A_70, %get3A_70 : vector<128x64xf32>
    %reduce_sum3A_75 = arith.constant dense<0.000000e+00> : vector<128xf32>
    %reduce_sum3A_76 = vector.multi_reduction <add>, %mul3A_74, %reduce_sum3A_75 [1] : vector<128x64xf32> to vector<128xf32>
    %broadcast_in_dim3A_77 = vector.shape_cast %reduce_sum3A_76 : vector<128xf32> to vector<128x1xf32>
    %dot_general3A_78 = arith.constant dense<0.000000e+00> : vector<128x128xf32>
    %dot_general3A_79 = tpu.matmul %get3A_70, %get3A_65, %dot_general3A_78 {dimension_numbers = #tpu.dot_dimension_numbers<[1], [1], [0], [0], [0, 0, 1, 0], [], []>, transpose_lhs_hint = false} : vector<128x64xf32>, vector<128x64xf32>, vector<128x128xf32> -> vector<128x128xf32>
    %add3A_80 = vector.broadcast %broadcast_in_dim3A_77 : vector<128x1xf32> to vector<128x128xf32>
    %add3A_81 = vector.broadcast %dot_general3A_73 : vector<1x128xf32> to vector<128x128xf32>
    %add3A_82 = arith.addf %add3A_80, %add3A_81 : vector<128x128xf32>
    %mul3A_83 = arith.constant 2.000000e+00 : f32
    %mul3A_84 = vector.broadcast %mul3A_83 : f32 to vector<128x128xf32>
    %mul3A_85 = arith.mulf %mul3A_84, %dot_general3A_79 : vector<128x128xf32>
    %sub3A_86 = arith.subf %add3A_82, %mul3A_85 : vector<128x128xf32>
    %concatenate3A_87 = tpu.concatenate %sub3A_86, %broadcast_in_dim3A_2 in 0 : vector<128x128xf32>, vector<8x128xf32> -> vector<136x128xf32>
    %swap3A_88 = arith.constant 2 : index
    %swap3A_89 = arith.constant 0 : index
    %swap3A_90 = arith.constant 0 : index
    %swap3A_91 = vector.load %arg2[%swap3A_88, %swap3A_89, %swap3A_90] : memref<16x136x128xf32, #tpu.memory_space<vmem>>, vector<1x136x128xf32>
    %swap3A_92 = vector.shape_cast %swap3A_91 : vector<1x136x128xf32> to vector<136x128xf32>
    %swap3A_93 = vector.shape_cast %concatenate3A_87 : vector<136x128xf32> to vector<1x136x128xf32>
    tpu.vector_store %arg2[%swap3A_88, %swap3A_89, %swap3A_90], %swap3A_93 {strides = array<i32>} : memref<16x136x128xf32, #tpu.memory_space<vmem>>, vector<1x136x128xf32>,
    %get3A_94 = arith.constant 3 : index
    %get3A_95 = arith.constant 0 : index
    %get3A_96 = arith.constant 0 : index
    %get3A_97 = vector.load %arg0[%get3A_94, %get3A_95, %get3A_96] : memref<16x128x64xf32, #tpu.memory_space<vmem>>, vector<1x128x64xf32>
    %get3A_98 = vector.shape_cast %get3A_97 : vector<1x128x64xf32> to vector<128x64xf32>
    %get3A_99 = arith.constant 3 : index
    %get3A_100 = arith.constant 0 : index
    %get3A_101 = arith.constant 0 : index
    %get3A_102 = vector.load %arg1[%get3A_99, %get3A_100, %get3A_101] : memref<16x128x64xf32, #tpu.memory_space<vmem>>, vector<1x128x64xf32>
    %get3A_103 = vector.shape_cast %get3A_102 : vector<1x128x64xf32> to vector<128x64xf32>
    %mul3A_104 = arith.mulf %get3A_98, %get3A_98 : vector<128x64xf32>
    %dot_general3A_105 = arith.constant dense<0.000000e+00> : vector<1x128xf32>
    %dot_general3A_106 = tpu.matmul %broadcast_in_dim3A_0, %mul3A_104, %dot_general3A_105 {dimension_numbers = #tpu.dot_dimension_numbers<[1], [1], [0], [0], [0, 0, 1, 0], [], []>, transpose_lhs_hint = false} : vector<1x64xf32>, vector<128x64xf32>, vector<1x128xf32> -> vector<1x128xf32>
    %mul3A_107 = arith.mulf %get3A_103, %get3A_103 : vector<128x64xf32>
    %reduce_sum3A_108 = arith.constant dense<0.000000e+00> : vector<128xf32>
    %reduce_sum3A_109 = vector.multi_reduction <add>, %mul3A_107, %reduce_sum3A_108 [1] : vector<128x64xf32> to vector<128xf32>
    %broadcast_in_dim3A_110 = vector.shape_cast %reduce_sum3A_109 : vector<128xf32> to vector<128x1xf32>
    %dot_general3A_111 = arith.constant dense<0.000000e+00> : vector<128x128xf32>
    %dot_general3A_112 = tpu.matmul %get3A_103, %get3A_98, %dot_general3A_111 {dimension_numbers = #tpu.dot_dimension_numbers<[1], [1], [0], [0], [0, 0, 1, 0], [], []>, transpose_lhs_hint = false} : vector<128x64xf32>, vector<128x64xf32>, vector<128x128xf32> -> vector<128x128xf32>
    %add3A_113 = vector.broadcast %broadcast_in_dim3A_110 : vector<128x1xf32> to vector<128x128xf32>
    %add3A_114 = vector.broadcast %dot_general3A_106 : vector<1x128xf32> to vector<128x128xf32>
    %add3A_115 = arith.addf %add3A_113, %add3A_114 : vector<128x128xf32>
    %mul3A_116 = arith.constant 2.000000e+00 : f32
    %mul3A_117 = vector.broadcast %mul3A_116 : f32 to vector<128x128xf32>
    %mul3A_118 = arith.mulf %mul3A_117, %dot_general3A_112 : vector<128x128xf32>
    %sub3A_119 = arith.subf %add3A_115, %mul3A_118 : vector<128x128xf32>
    %concatenate3A_120 = tpu.concatenate %sub3A_119, %broadcast_in_dim3A_2 in 0 : vector<128x128xf32>, vector<8x128xf32> -> vector<136x128xf32>
    %swap3A_121 = arith.constant 3 : index
    %swap3A_122 = arith.constant 0 : index
    %swap3A_123 = arith.constant 0 : index
    %swap3A_124 = vector.load %arg2[%swap3A_121, %swap3A_122, %swap3A_123] : memref<16x136x128xf32, #tpu.memory_space<vmem>>, vector<1x136x128xf32>
    %swap3A_125 = vector.shape_cast %swap3A_124 : vector<1x136x128xf32> to vector<136x128xf32>
    %swap3A_126 = vector.shape_cast %concatenate3A_120 : vector<136x128xf32> to vector<1x136x128xf32>
    tpu.vector_store %arg2[%swap3A_121, %swap3A_122, %swap3A_123], %swap3A_126 {strides = array<i32>} : memref<16x136x128xf32, #tpu.memory_space<vmem>>, vector<1x136x128xf32>,
    %get3A_127 = arith.constant 4 : index
    %get3A_128 = arith.constant 0 : index
    %get3A_129 = arith.constant 0 : index
    %get3A_130 = vector.load %arg0[%get3A_127, %get3A_128, %get3A_129] : memref<16x128x64xf32, #tpu.memory_space<vmem>>, vector<1x128x64xf32>
    %get3A_131 = vector.shape_cast %get3A_130 : vector<1x128x64xf32> to vector<128x64xf32>
    %get3A_132 = arith.constant 4 : index
    %get3A_133 = arith.constant 0 : index
    %get3A_134 = arith.constant 0 : index
    %get3A_135 = vector.load %arg1[%get3A_132, %get3A_133, %get3A_134] : memref<16x128x64xf32, #tpu.memory_space<vmem>>, vector<1x128x64xf32>
    %get3A_136 = vector.shape_cast %get3A_135 : vector<1x128x64xf32> to vector<128x64xf32>
    %mul3A_137 = arith.mulf %get3A_131, %get3A_131 : vector<128x64xf32>
    %dot_general3A_138 = arith.constant dense<0.000000e+00> : vector<1x128xf32>
    %dot_general3A_139 = tpu.matmul %broadcast_in_dim3A_0, %mul3A_137, %dot_general3A_138 {dimension_numbers = #tpu.dot_dimension_numbers<[1], [1], [0], [0], [0, 0, 1, 0], [], []>, transpose_lhs_hint = false} : vector<1x64xf32>, vector<128x64xf32>, vector<1x128xf32> -> vector<1x128xf32>
    %mul3A_140 = arith.mulf %get3A_136, %get3A_136 : vector<128x64xf32>
    %reduce_sum3A_141 = arith.constant dense<0.000000e+00> : vector<128xf32>
    %reduce_sum3A_142 = vector.multi_reduction <add>, %mul3A_140, %reduce_sum3A_141 [1] : vector<128x64xf32> to vector<128xf32>
    %broadcast_in_dim3A_143 = vector.shape_cast %reduce_sum3A_142 : vector<128xf32> to vector<128x1xf32>
    %dot_general3A_144 = arith.constant dense<0.000000e+00> : vector<128x128xf32>
    %dot_general3A_145 = tpu.matmul %get3A_136, %get3A_131, %dot_general3A_144 {dimension_numbers = #tpu.dot_dimension_numbers<[1], [1], [0], [0], [0, 0, 1, 0], [], []>, transpose_lhs_hint = false} : vector<128x64xf32>, vector<128x64xf32>, vector<128x128xf32> -> vector<128x128xf32>
    %add3A_146 = vector.broadcast %broadcast_in_dim3A_143 : vector<128x1xf32> to vector<128x128xf32>
    %add3A_147 = vector.broadcast %dot_general3A_139 : vector<1x128xf32> to vector<128x128xf32>
    %add3A_148 = arith.addf %add3A_146, %add3A_147 : vector<128x128xf32>
    %mul3A_149 = arith.constant 2.000000e+00 : f32
    %mul3A_150 = vector.broadcast %mul3A_149 : f32 to vector<128x128xf32>
    %mul3A_151 = arith.mulf %mul3A_150, %dot_general3A_145 : vector<128x128xf32>
    %sub3A_152 = arith.subf %add3A_148, %mul3A_151 : vector<128x128xf32>
    %concatenate3A_153 = tpu.concatenate %sub3A_152, %broadcast_in_dim3A_2 in 0 : vector<128x128xf32>, vector<8x128xf32> -> vector<136x128xf32>
    %swap3A_154 = arith.constant 4 : index
    %swap3A_155 = arith.constant 0 : index
    %swap3A_156 = arith.constant 0 : index
    %swap3A_157 = vector.load %arg2[%swap3A_154, %swap3A_155, %swap3A_156] : memref<16x136x128xf32, #tpu.memory_space<vmem>>, vector<1x136x128xf32>
    %swap3A_158 = vector.shape_cast %swap3A_157 : vector<1x136x128xf32> to vector<136x128xf32>
    %swap3A_159 = vector.shape_cast %concatenate3A_153 : vector<136x128xf32> to vector<1x136x128xf32>
    tpu.vector_store %arg2[%swap3A_154, %swap3A_155, %swap3A_156], %swap3A_159 {strides = array<i32>} : memref<16x136x128xf32, #tpu.memory_space<vmem>>, vector<1x136x128xf32>,
    %get3A_160 = arith.constant 5 : index
    %get3A_161 = arith.constant 0 : index
    %get3A_162 = arith.constant 0 : index
    %get3A_163 = vector.load %arg0[%get3A_160, %get3A_161, %get3A_162] : memref<16x128x64xf32, #tpu.memory_space<vmem>>, vector<1x128x64xf32>
    %get3A_164 = vector.shape_cast %get3A_163 : vector<1x128x64xf32> to vector<128x64xf32>
    %get3A_165 = arith.constant 5 : index
    %get3A_166 = arith.constant 0 : index
    %get3A_167 = arith.constant 0 : index
    %get3A_168 = vector.load %arg1[%get3A_165, %get3A_166, %get3A_167] : memref<16x128x64xf32, #tpu.memory_space<vmem>>, vector<1x128x64xf32>
    %get3A_169 = vector.shape_cast %get3A_168 : vector<1x128x64xf32> to vector<128x64xf32>
    %mul3A_170 = arith.mulf %get3A_164, %get3A_164 : vector<128x64xf32>
    %dot_general3A_171 = arith.constant dense<0.000000e+00> : vector<1x128xf32>
    %dot_general3A_172 = tpu.matmul %broadcast_in_dim3A_0, %mul3A_170, %dot_general3A_171 {dimension_numbers = #tpu.dot_dimension_numbers<[1], [1], [0], [0], [0, 0, 1, 0], [], []>, transpose_lhs_hint = false} : vector<1x64xf32>, vector<128x64xf32>, vector<1x128xf32> -> vector<1x128xf32>
    %mul3A_173 = arith.mulf %get3A_169, %get3A_169 : vector<128x64xf32>
    %reduce_sum3A_174 = arith.constant dense<0.000000e+00> : vector<128xf32>
    %reduce_sum3A_175 = vector.multi_reduction <add>, %mul3A_173, %reduce_sum3A_174 [1] : vector<128x64xf32> to vector<128xf32>
    %broadcast_in_dim3A_176 = vector.shape_cast %reduce_sum3A_175 : vector<128xf32> to vector<128x1xf32>
    %dot_general3A_177 = arith.constant dense<0.000000e+00> : vector<128x128xf32>
    %dot_general3A_178 = tpu.matmul %get3A_169, %get3A_164, %dot_general3A_177 {dimension_numbers = #tpu.dot_dimension_numbers<[1], [1], [0], [0], [0, 0, 1, 0], [], []>, transpose_lhs_hint = false} : vector<128x64xf32>, vector<128x64xf32>, vector<128x128xf32> -> vector<128x128xf32>
    %add3A_179 = vector.broadcast %broadcast_in_dim3A_176 : vector<128x1xf32> to vector<128x128xf32>
    %add3A_180 = vector.broadcast %dot_general3A_172 : vector<1x128xf32> to vector<128x128xf32>
    %add3A_181 = arith.addf %add3A_179, %add3A_180 : vector<128x128xf32>
    %mul3A_182 = arith.constant 2.000000e+00 : f32
    %mul3A_183 = vector.broadcast %mul3A_182 : f32 to vector<128x128xf32>
    %mul3A_184 = arith.mulf %mul3A_183, %dot_general3A_178 : vector<128x128xf32>
    %sub3A_185 = arith.subf %add3A_181, %mul3A_184 : vector<128x128xf32>
    %concatenate3A_186 = tpu.concatenate %sub3A_185, %broadcast_in_dim3A_2 in 0 : vector<128x128xf32>, vector<8x128xf32> -> vector<136x128xf32>
    %swap3A_187 = arith.constant 5 : index
    %swap3A_188 = arith.constant 0 : index
    %swap3A_189 = arith.constant 0 : index
    %swap3A_190 = vector.load %arg2[%swap3A_187, %swap3A_188, %swap3A_189] : memref<16x136x128xf32, #tpu.memory_space<vmem>>, vector<1x136x128xf32>
    %swap3A_191 = vector.shape_cast %swap3A_190 : vector<1x136x128xf32> to vector<136x128xf32>
    %swap3A_192 = vector.shape_cast %concatenate3A_186 : vector<136x128xf32> to vector<1x136x128xf32>
    tpu.vector_store %arg2[%swap3A_187, %swap3A_188, %swap3A_189], %swap3A_192 {strides = array<i32>} : memref<16x136x128xf32, #tpu.memory_space<vmem>>, vector<1x136x128xf32>,
    %get3A_193 = arith.constant 6 : index
    %get3A_194 = arith.constant 0 : index
    %get3A_195 = arith.constant 0 : index
    %get3A_196 = vector.load %arg0[%get3A_193, %get3A_194, %get3A_195] : memref<16x128x64xf32, #tpu.memory_space<vmem>>, vector<1x128x64xf32>
    %get3A_197 = vector.shape_cast %get3A_196 : vector<1x128x64xf32> to vector<128x64xf32>
    %get3A_198 = arith.constant 6 : index
    %get3A_199 = arith.constant 0 : index
    %get3A_200 = arith.constant 0 : index
    %get3A_201 = vector.load %arg1[%get3A_198, %get3A_199, %get3A_200] : memref<16x128x64xf32, #tpu.memory_space<vmem>>, vector<1x128x64xf32>
    %get3A_202 = vector.shape_cast %get3A_201 : vector<1x128x64xf32> to vector<128x64xf32>
    %mul3A_203 = arith.mulf %get3A_197, %get3A_197 : vector<128x64xf32>
    %dot_general3A_204 = arith.constant dense<0.000000e+00> : vector<1x128xf32>
    %dot_general3A_205 = tpu.matmul %broadcast_in_dim3A_0, %mul3A_203, %dot_general3A_204 {dimension_numbers = #tpu.dot_dimension_numbers<[1], [1], [0], [0], [0, 0, 1, 0], [], []>, transpose_lhs_hint = false} : vector<1x64xf32>, vector<128x64xf32>, vector<1x128xf32> -> vector<1x128xf32>
    %mul3A_206 = arith.mulf %get3A_202, %get3A_202 : vector<128x64xf32>
    %reduce_sum3A_207 = arith.constant dense<0.000000e+00> : vector<128xf32>
    %reduce_sum3A_208 = vector.multi_reduction <add>, %mul3A_206, %reduce_sum3A_207 [1] : vector<128x64xf32> to vector<128xf32>
    %broadcast_in_dim3A_209 = vector.shape_cast %reduce_sum3A_208 : vector<128xf32> to vector<128x1xf32>
    %dot_general3A_210 = arith.constant dense<0.000000e+00> : vector<128x128xf32>
    %dot_general3A_211 = tpu.matmul %get3A_202, %get3A_197, %dot_general3A_210 {dimension_numbers = #tpu.dot_dimension_numbers<[1], [1], [0], [0], [0, 0, 1, 0], [], []>, transpose_lhs_hint = false} : vector<128x64xf32>, vector<128x64xf32>, vector<128x128xf32> -> vector<128x128xf32>
    %add3A_212 = vector.broadcast %broadcast_in_dim3A_209 : vector<128x1xf32> to vector<128x128xf32>
    %add3A_213 = vector.broadcast %dot_general3A_205 : vector<1x128xf32> to vector<128x128xf32>
    %add3A_214 = arith.addf %add3A_212, %add3A_213 : vector<128x128xf32>
    %mul3A_215 = arith.constant 2.000000e+00 : f32
    %mul3A_216 = vector.broadcast %mul3A_215 : f32 to vector<128x128xf32>
    %mul3A_217 = arith.mulf %mul3A_216, %dot_general3A_211 : vector<128x128xf32>
    %sub3A_218 = arith.subf %add3A_214, %mul3A_217 : vector<128x128xf32>
    %concatenate3A_219 = tpu.concatenate %sub3A_218, %broadcast_in_dim3A_2 in 0 : vector<128x128xf32>, vector<8x128xf32> -> vector<136x128xf32>
    %swap3A_220 = arith.constant 6 : index
    %swap3A_221 = arith.constant 0 : index
    %swap3A_222 = arith.constant 0 : index
    %swap3A_223 = vector.load %arg2[%swap3A_220, %swap3A_221, %swap3A_222] : memref<16x136x128xf32, #tpu.memory_space<vmem>>, vector<1x136x128xf32>
    %swap3A_224 = vector.shape_cast %swap3A_223 : vector<1x136x128xf32> to vector<136x128xf32>
    %swap3A_225 = vector.shape_cast %concatenate3A_219 : vector<136x128xf32> to vector<1x136x128xf32>
    tpu.vector_store %arg2[%swap3A_220, %swap3A_221, %swap3A_222], %swap3A_225 {strides = array<i32>} : memref<16x136x128xf32, #tpu.memory_space<vmem>>, vector<1x136x128xf32>,
    %get3A_226 = arith.constant 7 : index
    %get3A_227 = arith.constant 0 : index
    %get3A_228 = arith.constant 0 : index
    %get3A_229 = vector.load %arg0[%get3A_226, %get3A_227, %get3A_228] : memref<16x128x64xf32, #tpu.memory_space<vmem>>, vector<1x128x64xf32>
    %get3A_230 = vector.shape_cast %get3A_229 : vector<1x128x64xf32> to vector<128x64xf32>
    %get3A_231 = arith.constant 7 : index
    %get3A_232 = arith.constant 0 : index
    %get3A_233 = arith.constant 0 : index
    %get3A_234 = vector.load %arg1[%get3A_231, %get3A_232, %get3A_233] : memref<16x128x64xf32, #tpu.memory_space<vmem>>, vector<1x128x64xf32>
    %get3A_235 = vector.shape_cast %get3A_234 : vector<1x128x64xf32> to vector<128x64xf32>
    %mul3A_236 = arith.mulf %get3A_230, %get3A_230 : vector<128x64xf32>
    %dot_general3A_237 = arith.constant dense<0.000000e+00> : vector<1x128xf32>
    %dot_general3A_238 = tpu.matmul %broadcast_in_dim3A_0, %mul3A_236, %dot_general3A_237 {dimension_numbers = #tpu.dot_dimension_numbers<[1], [1], [0], [0], [0, 0, 1, 0], [], []>, transpose_lhs_hint = false} : vector<1x64xf32>, vector<128x64xf32>, vector<1x128xf32> -> vector<1x128xf32>
    %mul3A_239 = arith.mulf %get3A_235, %get3A_235 : vector<128x64xf32>
    %reduce_sum3A_240 = arith.constant dense<0.000000e+00> : vector<128xf32>
    %reduce_sum3A_241 = vector.multi_reduction <add>, %mul3A_239, %reduce_sum3A_240 [1] : vector<128x64xf32> to vector<128xf32>
    %broadcast_in_dim3A_242 = vector.shape_cast %reduce_sum3A_241 : vector<128xf32> to vector<128x1xf32>
    %dot_general3A_243 = arith.constant dense<0.000000e+00> : vector<128x128xf32>
    %dot_general3A_244 = tpu.matmul %get3A_235, %get3A_230, %dot_general3A_243 {dimension_numbers = #tpu.dot_dimension_numbers<[1], [1], [0], [0], [0, 0, 1, 0], [], []>, transpose_lhs_hint = false} : vector<128x64xf32>, vector<128x64xf32>, vector<128x128xf32> -> vector<128x128xf32>
    %add3A_245 = vector.broadcast %broadcast_in_dim3A_242 : vector<128x1xf32> to vector<128x128xf32>
    %add3A_246 = vector.broadcast %dot_general3A_238 : vector<1x128xf32> to vector<128x128xf32>
    %add3A_247 = arith.addf %add3A_245, %add3A_246 : vector<128x128xf32>
    %mul3A_248 = arith.constant 2.000000e+00 : f32
    %mul3A_249 = vector.broadcast %mul3A_248 : f32 to vector<128x128xf32>
    %mul3A_250 = arith.mulf %mul3A_249, %dot_general3A_244 : vector<128x128xf32>
    %sub3A_251 = arith.subf %add3A_247, %mul3A_250 : vector<128x128xf32>
    %concatenate3A_252 = tpu.concatenate %sub3A_251, %broadcast_in_dim3A_2 in 0 : vector<128x128xf32>, vector<8x128xf32> -> vector<136x128xf32>
    %swap3A_253 = arith.constant 7 : index
    %swap3A_254 = arith.constant 0 : index
    %swap3A_255 = arith.constant 0 : index
    %swap3A_256 = vector.load %arg2[%swap3A_253, %swap3A_254, %swap3A_255] : memref<16x136x128xf32, #tpu.memory_space<vmem>>, vector<1x136x128xf32>
    %swap3A_257 = vector.shape_cast %swap3A_256 : vector<1x136x128xf32> to vector<136x128xf32>
    %swap3A_258 = vector.shape_cast %concatenate3A_252 : vector<136x128xf32> to vector<1x136x128xf32>
    tpu.vector_store %arg2[%swap3A_253, %swap3A_254, %swap3A_255], %swap3A_258 {strides = array<i32>} : memref<16x136x128xf32, #tpu.memory_space<vmem>>, vector<1x136x128xf32>,
    %get3A_259 = arith.constant 8 : index
    %get3A_260 = arith.constant 0 : index
    %get3A_261 = arith.constant 0 : index
    %get3A_262 = vector.load %arg0[%get3A_259, %get3A_260, %get3A_261] : memref<16x128x64xf32, #tpu.memory_space<vmem>>, vector<1x128x64xf32>
    %get3A_263 = vector.shape_cast %get3A_262 : vector<1x128x64xf32> to vector<128x64xf32>
    %get3A_264 = arith.constant 8 : index
    %get3A_265 = arith.constant 0 : index
    %get3A_266 = arith.constant 0 : index
    %get3A_267 = vector.load %arg1[%get3A_264, %get3A_265, %get3A_266] : memref<16x128x64xf32, #tpu.memory_space<vmem>>, vector<1x128x64xf32>
    %get3A_268 = vector.shape_cast %get3A_267 : vector<1x128x64xf32> to vector<128x64xf32>
    %mul3A_269 = arith.mulf %get3A_263, %get3A_263 : vector<128x64xf32>
    %dot_general3A_270 = arith.constant dense<0.000000e+00> : vector<1x128xf32>
    %dot_general3A_271 = tpu.matmul %broadcast_in_dim3A_0, %mul3A_269, %dot_general3A_270 {dimension_numbers = #tpu.dot_dimension_numbers<[1], [1], [0], [0], [0, 0, 1, 0], [], []>, transpose_lhs_hint = false} : vector<1x64xf32>, vector<128x64xf32>, vector<1x128xf32> -> vector<1x128xf32>
    %mul3A_272 = arith.mulf %get3A_268, %get3A_268 : vector<128x64xf32>
    %reduce_sum3A_273 = arith.constant dense<0.000000e+00> : vector<128xf32>
    %reduce_sum3A_274 = vector.multi_reduction <add>, %mul3A_272, %reduce_sum3A_273 [1] : vector<128x64xf32> to vector<128xf32>
    %broadcast_in_dim3A_275 = vector.shape_cast %reduce_sum3A_274 : vector<128xf32> to vector<128x1xf32>
    %dot_general3A_276 = arith.constant dense<0.000000e+00> : vector<128x128xf32>
    %dot_general3A_277 = tpu.matmul %get3A_268, %get3A_263, %dot_general3A_276 {dimension_numbers = #tpu.dot_dimension_numbers<[1], [1], [0], [0], [0, 0, 1, 0], [], []>, transpose_lhs_hint = false} : vector<128x64xf32>, vector<128x64xf32>, vector<128x128xf32> -> vector<128x128xf32>
    %add3A_278 = vector.broadcast %broadcast_in_dim3A_275 : vector<128x1xf32> to vector<128x128xf32>
    %add3A_279 = vector.broadcast %dot_general3A_271 : vector<1x128xf32> to vector<128x128xf32>
    %add3A_280 = arith.addf %add3A_278, %add3A_279 : vector<128x128xf32>
    %mul3A_281 = arith.constant 2.000000e+00 : f32
    %mul3A_282 = vector.broadcast %mul3A_281 : f32 to vector<128x128xf32>
    %mul3A_283 = arith.mulf %mul3A_282, %dot_general3A_277 : vector<128x128xf32>
    %sub3A_284 = arith.subf %add3A_280, %mul3A_283 : vector<128x128xf32>
    %concatenate3A_285 = tpu.concatenate %sub3A_284, %broadcast_in_dim3A_2 in 0 : vector<128x128xf32>, vector<8x128xf32> -> vector<136x128xf32>
    %swap3A_286 = arith.constant 8 : index
    %swap3A_287 = arith.constant 0 : index
    %swap3A_288 = arith.constant 0 : index
    %swap3A_289 = vector.load %arg2[%swap3A_286, %swap3A_287, %swap3A_288] : memref<16x136x128xf32, #tpu.memory_space<vmem>>, vector<1x136x128xf32>
    %swap3A_290 = vector.shape_cast %swap3A_289 : vector<1x136x128xf32> to vector<136x128xf32>
    %swap3A_291 = vector.shape_cast %concatenate3A_285 : vector<136x128xf32> to vector<1x136x128xf32>
    tpu.vector_store %arg2[%swap3A_286, %swap3A_287, %swap3A_288], %swap3A_291 {strides = array<i32>} : memref<16x136x128xf32, #tpu.memory_space<vmem>>, vector<1x136x128xf32>,
    %get3A_292 = arith.constant 9 : index
    %get3A_293 = arith.constant 0 : index
    %get3A_294 = arith.constant 0 : index
    %get3A_295 = vector.load %arg0[%get3A_292, %get3A_293, %get3A_294] : memref<16x128x64xf32, #tpu.memory_space<vmem>>, vector<1x128x64xf32>
    %get3A_296 = vector.shape_cast %get3A_295 : vector<1x128x64xf32> to vector<128x64xf32>
    %get3A_297 = arith.constant 9 : index
    %get3A_298 = arith.constant 0 : index
    %get3A_299 = arith.constant 0 : index
    %get3A_300 = vector.load %arg1[%get3A_297, %get3A_298, %get3A_299] : memref<16x128x64xf32, #tpu.memory_space<vmem>>, vector<1x128x64xf32>
    %get3A_301 = vector.shape_cast %get3A_300 : vector<1x128x64xf32> to vector<128x64xf32>
    %mul3A_302 = arith.mulf %get3A_296, %get3A_296 : vector<128x64xf32>
    %dot_general3A_303 = arith.constant dense<0.000000e+00> : vector<1x128xf32>
    %dot_general3A_304 = tpu.matmul %broadcast_in_dim3A_0, %mul3A_302, %dot_general3A_303 {dimension_numbers = #tpu.dot_dimension_numbers<[1], [1], [0], [0], [0, 0, 1, 0], [], []>, transpose_lhs_hint = false} : vector<1x64xf32>, vector<128x64xf32>, vector<1x128xf32> -> vector<1x128xf32>
    %mul3A_305 = arith.mulf %get3A_301, %get3A_301 : vector<128x64xf32>
    %reduce_sum3A_306 = arith.constant dense<0.000000e+00> : vector<128xf32>
    %reduce_sum3A_307 = vector.multi_reduction <add>, %mul3A_305, %reduce_sum3A_306 [1] : vector<128x64xf32> to vector<128xf32>
    %broadcast_in_dim3A_308 = vector.shape_cast %reduce_sum3A_307 : vector<128xf32> to vector<128x1xf32>
    %dot_general3A_309 = arith.constant dense<0.000000e+00> : vector<128x128xf32>
    %dot_general3A_310 = tpu.matmul %get3A_301, %get3A_296, %dot_general3A_309 {dimension_numbers = #tpu.dot_dimension_numbers<[1], [1], [0], [0], [0, 0, 1, 0], [], []>, transpose_lhs_hint = false} : vector<128x64xf32>, vector<128x64xf32>, vector<128x128xf32> -> vector<128x128xf32>
    %add3A_311 = vector.broadcast %broadcast_in_dim3A_308 : vector<128x1xf32> to vector<128x128xf32>
    %add3A_312 = vector.broadcast %dot_general3A_304 : vector<1x128xf32> to vector<128x128xf32>
    %add3A_313 = arith.addf %add3A_311, %add3A_312 : vector<128x128xf32>
    %mul3A_314 = arith.constant 2.000000e+00 : f32
    %mul3A_315 = vector.broadcast %mul3A_314 : f32 to vector<128x128xf32>
    %mul3A_316 = arith.mulf %mul3A_315, %dot_general3A_310 : vector<128x128xf32>
    %sub3A_317 = arith.subf %add3A_313, %mul3A_316 : vector<128x128xf32>
    %concatenate3A_318 = tpu.concatenate %sub3A_317, %broadcast_in_dim3A_2 in 0 : vector<128x128xf32>, vector<8x128xf32> -> vector<136x128xf32>
    %swap3A_319 = arith.constant 9 : index
    %swap3A_320 = arith.constant 0 : index
    %swap3A_321 = arith.constant 0 : index
    %swap3A_322 = vector.load %arg2[%swap3A_319, %swap3A_320, %swap3A_321] : memref<16x136x128xf32, #tpu.memory_space<vmem>>, vector<1x136x128xf32>
    %swap3A_323 = vector.shape_cast %swap3A_322 : vector<1x136x128xf32> to vector<136x128xf32>
    %swap3A_324 = vector.shape_cast %concatenate3A_318 : vector<136x128xf32> to vector<1x136x128xf32>
    tpu.vector_store %arg2[%swap3A_319, %swap3A_320, %swap3A_321], %swap3A_324 {strides = array<i32>} : memref<16x136x128xf32, #tpu.memory_space<vmem>>, vector<1x136x128xf32>,
    %get3A_325 = arith.constant 10 : index
    %get3A_326 = arith.constant 0 : index
    %get3A_327 = arith.constant 0 : index
    %get3A_328 = vector.load %arg0[%get3A_325, %get3A_326, %get3A_327] : memref<16x128x64xf32, #tpu.memory_space<vmem>>, vector<1x128x64xf32>
    %get3A_329 = vector.shape_cast %get3A_328 : vector<1x128x64xf32> to vector<128x64xf32>
    %get3A_330 = arith.constant 10 : index
    %get3A_331 = arith.constant 0 : index
    %get3A_332 = arith.constant 0 : index
    %get3A_333 = vector.load %arg1[%get3A_330, %get3A_331, %get3A_332] : memref<16x128x64xf32, #tpu.memory_space<vmem>>, vector<1x128x64xf32>
    %get3A_334 = vector.shape_cast %get3A_333 : vector<1x128x64xf32> to vector<128x64xf32>
    %mul3A_335 = arith.mulf %get3A_329, %get3A_329 : vector<128x64xf32>
    %dot_general3A_336 = arith.constant dense<0.000000e+00> : vector<1x128xf32>
    %dot_general3A_337 = tpu.matmul %broadcast_in_dim3A_0, %mul3A_335, %dot_general3A_336 {dimension_numbers = #tpu.dot_dimension_numbers<[1], [1], [0], [0], [0, 0, 1, 0], [], []>, transpose_lhs_hint = false} : vector<1x64xf32>, vector<128x64xf32>, vector<1x128xf32> -> vector<1x128xf32>
    %mul3A_338 = arith.mulf %get3A_334, %get3A_334 : vector<128x64xf32>
    %reduce_sum3A_339 = arith.constant dense<0.000000e+00> : vector<128xf32>
    %reduce_sum3A_340 = vector.multi_reduction <add>, %mul3A_338, %reduce_sum3A_339 [1] : vector<128x64xf32> to vector<128xf32>
    %broadcast_in_dim3A_341 = vector.shape_cast %reduce_sum3A_340 : vector<128xf32> to vector<128x1xf32>
    %dot_general3A_342 = arith.constant dense<0.000000e+00> : vector<128x128xf32>
    %dot_general3A_343 = tpu.matmul %get3A_334, %get3A_329, %dot_general3A_342 {dimension_numbers = #tpu.dot_dimension_numbers<[1], [1], [0], [0], [0, 0, 1, 0], [], []>, transpose_lhs_hint = false} : vector<128x64xf32>, vector<128x64xf32>, vector<128x128xf32> -> vector<128x128xf32>
    %add3A_344 = vector.broadcast %broadcast_in_dim3A_341 : vector<128x1xf32> to vector<128x128xf32>
    %add3A_345 = vector.broadcast %dot_general3A_337 : vector<1x128xf32> to vector<128x128xf32>
    %add3A_346 = arith.addf %add3A_344, %add3A_345 : vector<128x128xf32>
    %mul3A_347 = arith.constant 2.000000e+00 : f32
    %mul3A_348 = vector.broadcast %mul3A_347 : f32 to vector<128x128xf32>
    %mul3A_349 = arith.mulf %mul3A_348, %dot_general3A_343 : vector<128x128xf32>
    %sub3A_350 = arith.subf %add3A_346, %mul3A_349 : vector<128x128xf32>
    %concatenate3A_351 = tpu.concatenate %sub3A_350, %broadcast_in_dim3A_2 in 0 : vector<128x128xf32>, vector<8x128xf32> -> vector<136x128xf32>
    %swap3A_352 = arith.constant 10 : index
    %swap3A_353 = arith.constant 0 : index
    %swap3A_354 = arith.constant 0 : index
    %swap3A_355 = vector.load %arg2[%swap3A_352, %swap3A_353, %swap3A_354] : memref<16x136x128xf32, #tpu.memory_space<vmem>>, vector<1x136x128xf32>
    %swap3A_356 = vector.shape_cast %swap3A_355 : vector<1x136x128xf32> to vector<136x128xf32>
    %swap3A_357 = vector.shape_cast %concatenate3A_351 : vector<136x128xf32> to vector<1x136x128xf32>
    tpu.vector_store %arg2[%swap3A_352, %swap3A_353, %swap3A_354], %swap3A_357 {strides = array<i32>} : memref<16x136x128xf32, #tpu.memory_space<vmem>>, vector<1x136x128xf32>,
    %get3A_358 = arith.constant 11 : index
    %get3A_359 = arith.constant 0 : index
    %get3A_360 = arith.constant 0 : index
    %get3A_361 = vector.load %arg0[%get3A_358, %get3A_359, %get3A_360] : memref<16x128x64xf32, #tpu.memory_space<vmem>>, vector<1x128x64xf32>
    %get3A_362 = vector.shape_cast %get3A_361 : vector<1x128x64xf32> to vector<128x64xf32>
    %get3A_363 = arith.constant 11 : index
    %get3A_364 = arith.constant 0 : index
    %get3A_365 = arith.constant 0 : index
    %get3A_366 = vector.load %arg1[%get3A_363, %get3A_364, %get3A_365] : memref<16x128x64xf32, #tpu.memory_space<vmem>>, vector<1x128x64xf32>
    %get3A_367 = vector.shape_cast %get3A_366 : vector<1x128x64xf32> to vector<128x64xf32>
    %mul3A_368 = arith.mulf %get3A_362, %get3A_362 : vector<128x64xf32>
    %dot_general3A_369 = arith.constant dense<0.000000e+00> : vector<1x128xf32>
    %dot_general3A_370 = tpu.matmul %broadcast_in_dim3A_0, %mul3A_368, %dot_general3A_369 {dimension_numbers = #tpu.dot_dimension_numbers<[1], [1], [0], [0], [0, 0, 1, 0], [], []>, transpose_lhs_hint = false} : vector<1x64xf32>, vector<128x64xf32>, vector<1x128xf32> -> vector<1x128xf32>
    %mul3A_371 = arith.mulf %get3A_367, %get3A_367 : vector<128x64xf32>
    %reduce_sum3A_372 = arith.constant dense<0.000000e+00> : vector<128xf32>
    %reduce_sum3A_373 = vector.multi_reduction <add>, %mul3A_371, %reduce_sum3A_372 [1] : vector<128x64xf32> to vector<128xf32>
    %broadcast_in_dim3A_374 = vector.shape_cast %reduce_sum3A_373 : vector<128xf32> to vector<128x1xf32>
    %dot_general3A_375 = arith.constant dense<0.000000e+00> : vector<128x128xf32>
    %dot_general3A_376 = tpu.matmul %get3A_367, %get3A_362, %dot_general3A_375 {dimension_numbers = #tpu.dot_dimension_numbers<[1], [1], [0], [0], [0, 0, 1, 0], [], []>, transpose_lhs_hint = false} : vector<128x64xf32>, vector<128x64xf32>, vector<128x128xf32> -> vector<128x128xf32>
    %add3A_377 = vector.broadcast %broadcast_in_dim3A_374 : vector<128x1xf32> to vector<128x128xf32>
    %add3A_378 = vector.broadcast %dot_general3A_370 : vector<1x128xf32> to vector<128x128xf32>
    %add3A_379 = arith.addf %add3A_377, %add3A_378 : vector<128x128xf32>
    %mul3A_380 = arith.constant 2.000000e+00 : f32
    %mul3A_381 = vector.broadcast %mul3A_380 : f32 to vector<128x128xf32>
    %mul3A_382 = arith.mulf %mul3A_381, %dot_general3A_376 : vector<128x128xf32>
    %sub3A_383 = arith.subf %add3A_379, %mul3A_382 : vector<128x128xf32>
    %concatenate3A_384 = tpu.concatenate %sub3A_383, %broadcast_in_dim3A_2 in 0 : vector<128x128xf32>, vector<8x128xf32> -> vector<136x128xf32>
    %swap3A_385 = arith.constant 11 : index
    %swap3A_386 = arith.constant 0 : index
    %swap3A_387 = arith.constant 0 : index
    %swap3A_388 = vector.load %arg2[%swap3A_385, %swap3A_386, %swap3A_387] : memref<16x136x128xf32, #tpu.memory_space<vmem>>, vector<1x136x128xf32>
    %swap3A_389 = vector.shape_cast %swap3A_388 : vector<1x136x128xf32> to vector<136x128xf32>
    %swap3A_390 = vector.shape_cast %concatenate3A_384 : vector<136x128xf32> to vector<1x136x128xf32>
    tpu.vector_store %arg2[%swap3A_385, %swap3A_386, %swap3A_387], %swap3A_390 {strides = array<i32>} : memref<16x136x128xf32, #tpu.memory_space<vmem>>, vector<1x136x128xf32>,
    %get3A_391 = arith.constant 12 : index
    %get3A_392 = arith.constant 0 : index
    %get3A_393 = arith.constant 0 : index
    %get3A_394 = vector.load %arg0[%get3A_391, %get3A_392, %get3A_393] : memref<16x128x64xf32, #tpu.memory_space<vmem>>, vector<1x128x64xf32>
    %get3A_395 = vector.shape_cast %get3A_394 : vector<1x128x64xf32> to vector<128x64xf32>
    %get3A_396 = arith.constant 12 : index
    %get3A_397 = arith.constant 0 : index
    %get3A_398 = arith.constant 0 : index
    %get3A_399 = vector.load %arg1[%get3A_396, %get3A_397, %get3A_398] : memref<16x128x64xf32, #tpu.memory_space<vmem>>, vector<1x128x64xf32>
    %get3A_400 = vector.shape_cast %get3A_399 : vector<1x128x64xf32> to vector<128x64xf32>
    %mul3A_401 = arith.mulf %get3A_395, %get3A_395 : vector<128x64xf32>
    %dot_general3A_402 = arith.constant dense<0.000000e+00> : vector<1x128xf32>
    %dot_general3A_403 = tpu.matmul %broadcast_in_dim3A_0, %mul3A_401, %dot_general3A_402 {dimension_numbers = #tpu.dot_dimension_numbers<[1], [1], [0], [0], [0, 0, 1, 0], [], []>, transpose_lhs_hint = false} : vector<1x64xf32>, vector<128x64xf32>, vector<1x128xf32> -> vector<1x128xf32>
    %mul3A_404 = arith.mulf %get3A_400, %get3A_400 : vector<128x64xf32>
    %reduce_sum3A_405 = arith.constant dense<0.000000e+00> : vector<128xf32>
    %reduce_sum3A_406 = vector.multi_reduction <add>, %mul3A_404, %reduce_sum3A_405 [1] : vector<128x64xf32> to vector<128xf32>
    %broadcast_in_dim3A_407 = vector.shape_cast %reduce_sum3A_406 : vector<128xf32> to vector<128x1xf32>
    %dot_general3A_408 = arith.constant dense<0.000000e+00> : vector<128x128xf32>
    %dot_general3A_409 = tpu.matmul %get3A_400, %get3A_395, %dot_general3A_408 {dimension_numbers = #tpu.dot_dimension_numbers<[1], [1], [0], [0], [0, 0, 1, 0], [], []>, transpose_lhs_hint = false} : vector<128x64xf32>, vector<128x64xf32>, vector<128x128xf32> -> vector<128x128xf32>
    %add3A_410 = vector.broadcast %broadcast_in_dim3A_407 : vector<128x1xf32> to vector<128x128xf32>
    %add3A_411 = vector.broadcast %dot_general3A_403 : vector<1x128xf32> to vector<128x128xf32>
    %add3A_412 = arith.addf %add3A_410, %add3A_411 : vector<128x128xf32>
    %mul3A_413 = arith.constant 2.000000e+00 : f32
    %mul3A_414 = vector.broadcast %mul3A_413 : f32 to vector<128x128xf32>
    %mul3A_415 = arith.mulf %mul3A_414, %dot_general3A_409 : vector<128x128xf32>
    %sub3A_416 = arith.subf %add3A_412, %mul3A_415 : vector<128x128xf32>
    %concatenate3A_417 = tpu.concatenate %sub3A_416, %broadcast_in_dim3A_2 in 0 : vector<128x128xf32>, vector<8x128xf32> -> vector<136x128xf32>
    %swap3A_418 = arith.constant 12 : index
    %swap3A_419 = arith.constant 0 : index
    %swap3A_420 = arith.constant 0 : index
    %swap3A_421 = vector.load %arg2[%swap3A_418, %swap3A_419, %swap3A_420] : memref<16x136x128xf32, #tpu.memory_space<vmem>>, vector<1x136x128xf32>
    %swap3A_422 = vector.shape_cast %swap3A_421 : vector<1x136x128xf32> to vector<136x128xf32>
    %swap3A_423 = vector.shape_cast %concatenate3A_417 : vector<136x128xf32> to vector<1x136x128xf32>
    tpu.vector_store %arg2[%swap3A_418, %swap3A_419, %swap3A_420], %swap3A_423 {strides = array<i32>} : memref<16x136x128xf32, #tpu.memory_space<vmem>>, vector<1x136x128xf32>,
    %get3A_424 = arith.constant 13 : index
    %get3A_425 = arith.constant 0 : index
    %get3A_426 = arith.constant 0 : index
    %get3A_427 = vector.load %arg0[%get3A_424, %get3A_425, %get3A_426] : memref<16x128x64xf32, #tpu.memory_space<vmem>>, vector<1x128x64xf32>
    %get3A_428 = vector.shape_cast %get3A_427 : vector<1x128x64xf32> to vector<128x64xf32>
    %get3A_429 = arith.constant 13 : index
    %get3A_430 = arith.constant 0 : index
    %get3A_431 = arith.constant 0 : index
    %get3A_432 = vector.load %arg1[%get3A_429, %get3A_430, %get3A_431] : memref<16x128x64xf32, #tpu.memory_space<vmem>>, vector<1x128x64xf32>
    %get3A_433 = vector.shape_cast %get3A_432 : vector<1x128x64xf32> to vector<128x64xf32>
    %mul3A_434 = arith.mulf %get3A_428, %get3A_428 : vector<128x64xf32>
    %dot_general3A_435 = arith.constant dense<0.000000e+00> : vector<1x128xf32>
    %dot_general3A_436 = tpu.matmul %broadcast_in_dim3A_0, %mul3A_434, %dot_general3A_435 {dimension_numbers = #tpu.dot_dimension_numbers<[1], [1], [0], [0], [0, 0, 1, 0], [], []>, transpose_lhs_hint = false} : vector<1x64xf32>, vector<128x64xf32>, vector<1x128xf32> -> vector<1x128xf32>
    %mul3A_437 = arith.mulf %get3A_433, %get3A_433 : vector<128x64xf32>
    %reduce_sum3A_438 = arith.constant dense<0.000000e+00> : vector<128xf32>
    %reduce_sum3A_439 = vector.multi_reduction <add>, %mul3A_437, %reduce_sum3A_438 [1] : vector<128x64xf32> to vector<128xf32>
    %broadcast_in_dim3A_440 = vector.shape_cast %reduce_sum3A_439 : vector<128xf32> to vector<128x1xf32>
    %dot_general3A_441 = arith.constant dense<0.000000e+00> : vector<128x128xf32>
    %dot_general3A_442 = tpu.matmul %get3A_433, %get3A_428, %dot_general3A_441 {dimension_numbers = #tpu.dot_dimension_numbers<[1], [1], [0], [0], [0, 0, 1, 0], [], []>, transpose_lhs_hint = false} : vector<128x64xf32>, vector<128x64xf32>, vector<128x128xf32> -> vector<128x128xf32>
    %add3A_443 = vector.broadcast %broadcast_in_dim3A_440 : vector<128x1xf32> to vector<128x128xf32>
    %add3A_444 = vector.broadcast %dot_general3A_436 : vector<1x128xf32> to vector<128x128xf32>
    %add3A_445 = arith.addf %add3A_443, %add3A_444 : vector<128x128xf32>
    %mul3A_446 = arith.constant 2.000000e+00 : f32
    %mul3A_447 = vector.broadcast %mul3A_446 : f32 to vector<128x128xf32>
    %mul3A_448 = arith.mulf %mul3A_447, %dot_general3A_442 : vector<128x128xf32>
    %sub3A_449 = arith.subf %add3A_445, %mul3A_448 : vector<128x128xf32>
    %concatenate3A_450 = tpu.concatenate %sub3A_449, %broadcast_in_dim3A_2 in 0 : vector<128x128xf32>, vector<8x128xf32> -> vector<136x128xf32>
    %swap3A_451 = arith.constant 13 : index
    %swap3A_452 = arith.constant 0 : index
    %swap3A_453 = arith.constant 0 : index
    %swap3A_454 = vector.load %arg2[%swap3A_451, %swap3A_452, %swap3A_453] : memref<16x136x128xf32, #tpu.memory_space<vmem>>, vector<1x136x128xf32>
    %swap3A_455 = vector.shape_cast %swap3A_454 : vector<1x136x128xf32> to vector<136x128xf32>
    %swap3A_456 = vector.shape_cast %concatenate3A_450 : vector<136x128xf32> to vector<1x136x128xf32>
    tpu.vector_store %arg2[%swap3A_451, %swap3A_452, %swap3A_453], %swap3A_456 {strides = array<i32>} : memref<16x136x128xf32, #tpu.memory_space<vmem>>, vector<1x136x128xf32>,
    %get3A_457 = arith.constant 14 : index
    %get3A_458 = arith.constant 0 : index
    %get3A_459 = arith.constant 0 : index
    %get3A_460 = vector.load %arg0[%get3A_457, %get3A_458, %get3A_459] : memref<16x128x64xf32, #tpu.memory_space<vmem>>, vector<1x128x64xf32>
    %get3A_461 = vector.shape_cast %get3A_460 : vector<1x128x64xf32> to vector<128x64xf32>
    %get3A_462 = arith.constant 14 : index
    %get3A_463 = arith.constant 0 : index
    %get3A_464 = arith.constant 0 : index
    %get3A_465 = vector.load %arg1[%get3A_462, %get3A_463, %get3A_464] : memref<16x128x64xf32, #tpu.memory_space<vmem>>, vector<1x128x64xf32>
    %get3A_466 = vector.shape_cast %get3A_465 : vector<1x128x64xf32> to vector<128x64xf32>
    %mul3A_467 = arith.mulf %get3A_461, %get3A_461 : vector<128x64xf32>
    %dot_general3A_468 = arith.constant dense<0.000000e+00> : vector<1x128xf32>
    %dot_general3A_469 = tpu.matmul %broadcast_in_dim3A_0, %mul3A_467, %dot_general3A_468 {dimension_numbers = #tpu.dot_dimension_numbers<[1], [1], [0], [0], [0, 0, 1, 0], [], []>, transpose_lhs_hint = false} : vector<1x64xf32>, vector<128x64xf32>, vector<1x128xf32> -> vector<1x128xf32>
    %mul3A_470 = arith.mulf %get3A_466, %get3A_466 : vector<128x64xf32>
    %reduce_sum3A_471 = arith.constant dense<0.000000e+00> : vector<128xf32>
    %reduce_sum3A_472 = vector.multi_reduction <add>, %mul3A_470, %reduce_sum3A_471 [1] : vector<128x64xf32> to vector<128xf32>
    %broadcast_in_dim3A_473 = vector.shape_cast %reduce_sum3A_472 : vector<128xf32> to vector<128x1xf32>
    %dot_general3A_474 = arith.constant dense<0.000000e+00> : vector<128x128xf32>
    %dot_general3A_475 = tpu.matmul %get3A_466, %get3A_461, %dot_general3A_474 {dimension_numbers = #tpu.dot_dimension_numbers<[1], [1], [0], [0], [0, 0, 1, 0], [], []>, transpose_lhs_hint = false} : vector<128x64xf32>, vector<128x64xf32>, vector<128x128xf32> -> vector<128x128xf32>
    %add3A_476 = vector.broadcast %broadcast_in_dim3A_473 : vector<128x1xf32> to vector<128x128xf32>
    %add3A_477 = vector.broadcast %dot_general3A_469 : vector<1x128xf32> to vector<128x128xf32>
    %add3A_478 = arith.addf %add3A_476, %add3A_477 : vector<128x128xf32>
    %mul3A_479 = arith.constant 2.000000e+00 : f32
    %mul3A_480 = vector.broadcast %mul3A_479 : f32 to vector<128x128xf32>
    %mul3A_481 = arith.mulf %mul3A_480, %dot_general3A_475 : vector<128x128xf32>
    %sub3A_482 = arith.subf %add3A_478, %mul3A_481 : vector<128x128xf32>
    %concatenate3A_483 = tpu.concatenate %sub3A_482, %broadcast_in_dim3A_2 in 0 : vector<128x128xf32>, vector<8x128xf32> -> vector<136x128xf32>
    %swap3A_484 = arith.constant 14 : index
    %swap3A_485 = arith.constant 0 : index
    %swap3A_486 = arith.constant 0 : index
    %swap3A_487 = vector.load %arg2[%swap3A_484, %swap3A_485, %swap3A_486] : memref<16x136x128xf32, #tpu.memory_space<vmem>>, vector<1x136x128xf32>
    %swap3A_488 = vector.shape_cast %swap3A_487 : vector<1x136x128xf32> to vector<136x128xf32>
    %swap3A_489 = vector.shape_cast %concatenate3A_483 : vector<136x128xf32> to vector<1x136x128xf32>
    tpu.vector_store %arg2[%swap3A_484, %swap3A_485, %swap3A_486], %swap3A_489 {strides = array<i32>} : memref<16x136x128xf32, #tpu.memory_space<vmem>>, vector<1x136x128xf32>,
    %get3A_490 = arith.constant 15 : index
    %get3A_491 = arith.constant 0 : index
    %get3A_492 = arith.constant 0 : index
    %get3A_493 = vector.load %arg0[%get3A_490, %get3A_491, %get3A_492] : memref<16x128x64xf32, #tpu.memory_space<vmem>>, vector<1x128x64xf32>
    %get3A_494 = vector.shape_cast %get3A_493 : vector<1x128x64xf32> to vector<128x64xf32>
    %get3A_495 = arith.constant 15 : index
    %get3A_496 = arith.constant 0 : index
    %get3A_497 = arith.constant 0 : index
    %get3A_498 = vector.load %arg1[%get3A_495, %get3A_496, %get3A_497] : memref<16x128x64xf32, #tpu.memory_space<vmem>>, vector<1x128x64xf32>
    %get3A_499 = vector.shape_cast %get3A_498 : vector<1x128x64xf32> to vector<128x64xf32>
    %mul3A_500 = arith.mulf %get3A_494, %get3A_494 : vector<128x64xf32>
    %dot_general3A_501 = arith.constant dense<0.000000e+00> : vector<1x128xf32>
    %dot_general3A_502 = tpu.matmul %broadcast_in_dim3A_0, %mul3A_500, %dot_general3A_501 {dimension_numbers = #tpu.dot_dimension_numbers<[1], [1], [0], [0], [0, 0, 1, 0], [], []>, transpose_lhs_hint = false} : vector<1x64xf32>, vector<128x64xf32>, vector<1x128xf32> -> vector<1x128xf32>
    %mul3A_503 = arith.mulf %get3A_499, %get3A_499 : vector<128x64xf32>
    %reduce_sum3A_504 = arith.constant dense<0.000000e+00> : vector<128xf32>
    %reduce_sum3A_505 = vector.multi_reduction <add>, %mul3A_503, %reduce_sum3A_504 [1] : vector<128x64xf32> to vector<128xf32>
    %broadcast_in_dim3A_506 = vector.shape_cast %reduce_sum3A_505 : vector<128xf32> to vector<128x1xf32>
    %dot_general3A_507 = arith.constant dense<0.000000e+00> : vector<128x128xf32>
    %dot_general3A_508 = tpu.matmul %get3A_499, %get3A_494, %dot_general3A_507 {dimension_numbers = #tpu.dot_dimension_numbers<[1], [1], [0], [0], [0, 0, 1, 0], [], []>, transpose_lhs_hint = false} : vector<128x64xf32>, vector<128x64xf32>, vector<128x128xf32> -> vector<128x128xf32>
    %add3A_509 = vector.broadcast %broadcast_in_dim3A_506 : vector<128x1xf32> to vector<128x128xf32>
    %add3A_510 = vector.broadcast %dot_general3A_502 : vector<1x128xf32> to vector<128x128xf32>
    %add3A_511 = arith.addf %add3A_509, %add3A_510 : vector<128x128xf32>
    %mul3A_512 = arith.constant 2.000000e+00 : f32
    %mul3A_513 = vector.broadcast %mul3A_512 : f32 to vector<128x128xf32>
    %mul3A_514 = arith.mulf %mul3A_513, %dot_general3A_508 : vector<128x128xf32>
    %sub3A_515 = arith.subf %add3A_511, %mul3A_514 : vector<128x128xf32>
    %concatenate3A_516 = tpu.concatenate %sub3A_515, %broadcast_in_dim3A_2 in 0 : vector<128x128xf32>, vector<8x128xf32> -> vector<136x128xf32>
    %swap3A_517 = arith.constant 15 : index
    %swap3A_518 = arith.constant 0 : index
    %swap3A_519 = arith.constant 0 : index
    %swap3A_520 = vector.load %arg2[%swap3A_517, %swap3A_518, %swap3A_519] : memref<16x136x128xf32, #tpu.memory_space<vmem>>, vector<1x136x128xf32>
    %swap3A_521 = vector.shape_cast %swap3A_520 : vector<1x136x128xf32> to vector<136x128xf32>
    %swap3A_522 = vector.shape_cast %concatenate3A_516 : vector<136x128xf32> to vector<1x136x128xf32>
    tpu.vector_store %arg2[%swap3A_517, %swap3A_518, %swap3A_519], %swap3A_522 {strides = array<i32>} : memref<16x136x128xf32, #tpu.memory_space<vmem>>, vector<1x136x128xf32>,
    return
  }
}

</mosaic_0001>

<sc_bundles>
// kernel: kernel.4.cloned.1.call-start
scs
__scs_entry_jumppad:
0x0: {  	(pc) =	sbr.rel $0x88, $3  }
0x1: {  	(tag) =	ssettag $0x0;
	lr =	simm.s32 $0x1  }
0x2: {  	[smem:$0x3F9F] =	sst lr;
	_ =	strace $0xD0000000  }
0x3: {  	_ = 	snop  }
0x4: {  	_ = 	snop  }
0x5: {  	_ = 	snop  }
0x6: {  	_ = 	snop  }
0x7: {  	_ = 	snop  }
__scs_overlays_trampoline_lowered:
0x8: {  	[smem:$0x3FAE] =	sst s0  }
0x9: {  	[smem:$0x3FAF] =	sst s1  }
0xa: {  	[smem:$0x3FB0] =	sst s2  }
0xb: {  	[smem:$0x3FB1] =	sst s3  }
0xc: {  	[smem:$0x3FB2] =	sst s4  }
0xd: {  	[smem:$0x3FB3] =	sst s5  }
0xe: {  	[smem:$0x3FB4] =	sst s6  }
0xf: {  	[smem:$0x3FB5] =	sst s7  }
0x10: {  	[smem:$0x3FB6] =	sst s8  }
0x11: {  	[smem:$0x3FB7] =	sst s9;
	s0 =	simm.s32 @!p0 $0x0  }
0x12: {  	s1 =	sld [smem:$0x3F9D];
	s0 =	simm.s32 @p0 $0x1  }
0x13: {  	[smem:$0x3FB8] =	sst s0;
	s0 =	simm.s32 @!p1 $0x0  }
0x14: {  	s2 =	sld [smem:$0x3F9C];
	s0 =	simm.s32 @p1 $0x1  }
0x15: {  	[smem:$0x3FB9] =	sst s0;
	s0 =	simm.s32 @!p2 $0x0  }
0x16: {  	s3 =	sld [smem:$0x3FDB];
	s0 =	simm.s32 @p2 $0x1  }
0x17: {  	s4 =	simm.s32 $0x1BF5;
	[smem:$0x3FBB] =	sst s0  }
0x18: {  	s0 =	sld [smem:$0x3F9E];
	_ =	swait.ge [sflag:s4], $0x0  }
0x19: {  	s7 =	sld [smem:$0x3F9F]  }
0x1a: {  	s8 =	sadd.s32 $0xFFFFE003, lr  }
0x1b: {  	s9 =	sadd.s32 $0xFFFFFEF7, lr;
	s5 =	simm.s32 $0xFFFFFFFF;
	p2 =	slt.u32 s8, $0xFFFFF086  }
0x1c: {  	p1 =	slt.u32 s9, $0xF7A;
	s5 =	simm.s32 @!p2 $0x0  }
0x1d: {  	s5 =	simm.s32 @p1 $0x1;
	p0 =	seq.s32 s7, s2  }
0x1e: {  	s7 =	smul.u32 @!p0 $0xF7A, s2;
	p2 =	seq.s32 @!p0 s5, $0x0  }
0x1f: {  	s9 =	smul.u32 $0xF7A, s1;
	s8 =	simm.s32 @!p0 $0x1BF5;
	p2 =	por !p2, p0  }
0x20: {  	[sflag:s8] =	ssyncset.s32 @!p0 $0xFFFFF086;
	s6 =	sadd.s32 @!p0 s3, s7;
	s7 =	simm.s32 @!p0 $0x108  }
0x21: {  	s3 =	sadd.s32 s3, s9;
	s6 =	sadd.s32 @!p0 $0x88, s6;
	s7 =	simm.s32 @p2 $0x1082  }
0x22: {  	[simem:s7], [sflag:s8] =	dma.local @!p0 [hbm:s6], $0xF7A  }
0x23: {  	s9 =	sor.u32 $0xD0000000, s2;
	s6 =	simm.s32 $0x108;
	_ =	swait.ge @!p0 [sflag:s8], $0x0  }
0x24: {  	s3 =	sadd.s32 $0x88, s3;
	s6 =	simm.s32 @!p1 $0x1082;
	[sflag:s4] =	ssyncset.s32 $0xFFFFF086  }
0x25: {  	[simem:s6], [sflag:s4] =	dma.local [hbm:s3], $0xF7A  }
0x26: {  	[smem:$0x3F9F] =	sst s1;
	(tag) =	ssettag s2;
	_ =	strace s9  }
0x27: {  	s1 =	sld [smem:$0x3FAF]  }
0x28: {  	s2 =	sld [smem:$0x3FB0]  }
0x29: {  	s4 =	sld [smem:$0x3FB2]  }
0x2a: {  	p0 =	seq.s32 s5, $0x0;
	s5 =	sld [smem:$0x3FB3]  }
0x2b: {  	s6 =	sld [smem:$0x3FB4]  }
0x2c: {  	s7 =	sld [smem:$0x3FB5]  }
0x2d: {  	s3 =	simm.s32 $0x108;
	s8 =	sld [smem:$0x3FB6]  }
0x2e: {  	s3 =	simm.s32 @!p0 $0x1082;
	s9 =	sld [smem:$0x3FB7]  }
0x2f: {  	lr =	sadd.s32 s0, s3;
	s0 =	sld [smem:$0x3FAE]  }
0x30: {  	s3 =	sld [smem:$0x3FB1]  }
0x31: {  	[smem:$0x3FBA] =	sst s10  }
0x32: {  	s10 =	sld [smem:$0x3FB8];
	_ =	sdelay $0x3  }
0x33: {  	p0 =	seq.s32 s10, $0x1;
	s10 =	sld [smem:$0x3FBA];
	_ =	sdelay $0x3  }
0x34: {  	[smem:$0x3FBA] =	sst s10  }
0x35: {  	s10 =	sld [smem:$0x3FB9];
	_ =	sdelay $0x3  }
0x36: {  	p1 =	seq.s32 s10, $0x1;
	s10 =	sld [smem:$0x3FBA];
	_ =	sdelay $0x3  }
0x37: {  	[smem:$0x3FBA] =	sst s10  }
0x38: {  	s10 =	sld [smem:$0x3FBB]  }
0x39: {  	_ = 	snop;
	(pc) =	sbr.ind lr, $3  }
0x3a: {  	_ = 	snop  }
0x3b: {  	_ = 	snop  }
0x3c: {  	p2 =	seq.s32 s10, $0x1;
	s10 =	sld [smem:$0x3FBA]  }
0x3d: {  	_ =	shalt  }
0x3e: {  	_ =	shalt  }
0x3f: {  	_ =	shalt  }
0x40: {  	_ =	shalt  }
0x41: {  	_ =	shalt  }
0x42: {  	_ =	shalt  }
0x43: {  	_ =	shalt  }
0x44: {  	_ =	shalt  }
0x45: {  	_ =	shalt  }
0x46: {  	_ =	shalt  }
0x47: {  	_ =	shalt  }
0x48: {  	_ =	shalt  }
0x49: {  	_ =	shalt  }
0x4a: {  	_ =	shalt  }
0x4b: {  	_ =	shalt  }
0x4c: {  	_ =	shalt  }
0x4d: {  	_ =	shalt  }
0x4e: {  	_ =	shalt  }
0x4f: {  	_ =	shalt  }
0x50: {  	_ =	shalt  }
0x51: {  	_ =	shalt  }
0x52: {  	_ =	shalt  }
0x53: {  	_ =	shalt  }
0x54: {  	_ =	shalt  }
0x55: {  	_ =	shalt  }
0x56: {  	_ =	shalt  }
0x57: {  	_ =	shalt  }
0x58: {  	_ =	shalt  }
0x59: {  	_ =	shalt  }
0x5a: {  	_ =	shalt  }
0x5b: {  	_ =	shalt  }
0x5c: {  	_ =	shalt  }
0x5d: {  	_ =	shalt  }
0x5e: {  	_ =	shalt  }
0x5f: {  	_ =	shalt  }
0x60: {  	_ =	shalt  }
0x61: {  	_ =	shalt  }
0x62: {  	_ =	shalt  }
0x63: {  	_ =	shalt  }
0x64: {  	_ =	shalt  }
0x65: {  	_ =	shalt  }
0x66: {  	_ =	shalt  }
0x67: {  	_ =	shalt  }
0x68: {  	_ =	shalt  }
0x69: {  	_ =	shalt  }
0x6a: {  	_ =	shalt  }
0x6b: {  	_ =	shalt  }
0x6c: {  	_ =	shalt  }
0x6d: {  	_ =	shalt  }
0x6e: {  	_ =	shalt  }
0x6f: {  	_ =	shalt  }
0x70: {  	_ =	shalt  }
0x71: {  	_ =	shalt  }
0x72: {  	_ =	shalt  }
0x73: {  	_ =	shalt  }
0x74: {  	_ =	shalt  }
0x75: {  	_ =	shalt  }
0x76: {  	_ =	shalt  }
0x77: {  	_ =	shalt  }
0x78: {  	_ =	shalt  }
0x79: {  	_ =	shalt  }
0x7a: {  	_ =	shalt  }
0x7b: {  	_ =	shalt  }
0x7c: {  	_ =	shalt  }
0x7d: {  	_ =	shalt  }
0x7e: {  	_ =	shalt  }
0x7f: {  	_ =	shalt  }
0x80: {  	_ =	shalt  }
0x81: {  	_ =	shalt  }
0x82: {  	_ =	shalt  }
0x83: {  	_ =	shalt  }
0x84: {  	_ =	shalt  }
0x85: {  	_ =	shalt  }
0x86: {  	_ =	shalt  }
0x87: {  	_ =	shalt  }
.Lfunc_end0:
.L_simem_size_0:
called_computation_lowered:
.L_overlay_start_0:
0x88: {  	s2 =	sld [smem:$0x3FD9]  }
0x89: {  	s3 =	sld [smem:$0x3FFE];
	_ =	sdelay $0x1  }
0x8a: {  	s1 =	srdreg.scid  }
0x8b: {  	s0 =	sand.u32 $0x1, s1  }
0x8c: {  	s16 =	sshll.u32 s0, $0xA;
	s2 =	sadd.s32 s3, s2  }
0x8d: {  	s2 =	sadd.s32 s2, s16  }
0x8e: {  	[smem:$0x3FC6] =	sst s2  }
0x8f: {  	_ = 	snop  }
0x90: {  	(tm) =	ssettm $0x1  }
0x91: {  	s17 =	sld [smem:$0x3FFB];
	_ =	sdelay $0x3  }
0x92: {  	_ =	strace s17  }
0x93: {  	s2 =	sld [smem:$0x3FFC];
	_ =	sdelay $0x3  }
0x94: {  	_ =	strace s2  }
0x95: {  	s2 =	sld [smem:$0x3FFD];
	_ =	sdelay $0x3  }
0x96: {  	_ =	strace s2  }
0x97: {  	_ =	strace $0x8FFFFFFF  }
0x98: {  	s18 =	sld [smem:$0x3FDB];
	_ =	sdelay $0x1  }
0x99: {  	s19 =	simm.s32 $_scs_section_size  }
0x9a: {  	s4 =	simm.s32 $_size__tile_overlayer_lowered;
	s5 =	simm.s32 $_tile_overlayer_lowered  }
0x9b: {  	s22 =	simm.s32 $0x1BFF;
	s21 =	sshll.u32 s5, $0x1;
	s2 =	sadd.s32 s19, s18  }
0x9c: {  	s6 =	simm.s32 $0x0;
	s20 =	sshll.u32 s4, $0x1;
	s4 =	sadd.s32 s21, s2  }
0x9d: {  	[timem:s6], [sflag:s22] =	dma.local [hbm:s4], s20  }
0x9e: {  	_ =	swait.ge [sflag:s22], s20  }
0x9f: {  	s3 =	ssub.s32 $0x0, s20;
	[sflag:s22] =	ssyncset.done $0x0  }
0xa0: {  	[sflag:s22] =	ssyncadd.s32 s3;
	_ =	sdelay $0x1  }
0xa1: {  	s23 =	simm.s32 $0x1B8B  }
0xa2: {  	_ =	swait.ge [sflag:s23], $0x1  }
0xa3: {  	[sflag:s23] =	ssyncset.done $0x0  }
0xa4: {  	s25 =	simm.s32 $0x1B8E;
	s24 =	sld [smem:$0x3FFE];
	[sflag:s23] =	ssyncadd.s32 $0xFFFFFFFF  }
0xa5: {  	s26 =	simm.s32 $execute0_lowered;
	[smem:$0x3FD2] =	sst s25  }
0xa6: {  	s4 =	sshll.u32 s26, $0x1;
	_ =	strace $0x80000046;
	[dreg:$0x1] =	wrdreg $0xFFFFFFFF  }
0xa7: {  	s28 =	simm.s32 $_size_execute0_lowered;
	s2 =	sadd.s32 s2, s4;
	[dreg:$0x0] =	wrdreg $0x0  }
0xa8: {  	s4 =	sshll.u32 s28, $0x1;
	[dreg:$0x2] =	wrdreg s2  }
0xa9: {  	[dreg:$0x3] =	wrdreg s4  }
0xaa: {  	[dreg:$0x4] =	wrdreg $0xC0  }
0xab: {  	_ =	task [dreg:s6], $0x5FFFF  }
0xac: {  	[dreg:$0x1] =	wrdreg $0xFFFFFFFF  }
0xad: {  	[dreg:$0x0] =	wrdreg $0x60  }
0xae: {  	[dreg:$0x2] =	wrdreg s24  }
0xaf: {  	[dreg:$0x3] =	wrdreg $0x9  }
0xb0: {  	_ =	task.clear_ibuf [dreg:s6], $0x4FFFF;
	_ =	strace $0x90000046  }
0xb1: {  	s29 =	simm.s32 $0x9;
	_ =	strace $0x80000048  }
0xb2: {  	_ =	swait.ge [sflag:s29], $0x1  }
0xb3: {  	[sflag:s29] =	ssyncadd.s32 $0xFFFFFFFF  }
0xb4: {  	_ =	strace $0x90000048  }
0xb5: {  	_ =	sfence  }
0xb6: {  	s30 =	sld [smem:$0x0];
	_ =	sdelay $0x2  }
0xb7: {  	s31 =	sshll.u32 s1, $0xD;
	s1 =	sshrl.u32 s1, $0x2  }
0xb8: {  	s3 =	sand.u32 $0x4000, s31;
	s1 =	sadd.s32 s1, s30  }
0xb9: {  	s0 =	sor.u32 s3, s0;
	s1 =	sshll.u32 s1, $0x11  }
0xba: {  	s0 =	sor.u32 s1, s0  }
0xbb: {  	s0 =	sadd.s32 $0x8F2B, s0  }
0xbc: {  	[sflag:s0] =	ssyncadd.remote.s32 $0x1  }
0xbd: {  	_ =	sfence.sel $0xFFFF  }
0xbe: {  	[dreg:$0x0] =	wrdreg $0xFFFFFFFF;
	(pc) =	sbr.abs _section_cstart, $3  }
0xbf: {  	[dreg:$0x1] =	wrdreg $0xFFFFFFFF  }
0xc0: {  	_ =	task.clear_ibuf [dreg:s6], $0x2FFFF;
	_ =	strace $0x9FFFFFFF  }
0xc1: {  	(tm) =	ssettm $0x7FFFFFFF  }
tec
execute0_lowered:
.L_overlay_start_1:
0x0: {  	(tag) =	ssettag $0x1  }
0x1: {  	s1 =	stileid.u32  }
0x2: {  	p0 =	sgt.u32 s1, $0x7  }
.Ltmp0:
0x3: {  	_ = 	snop;
	(pc) =	sbr.rel @p0 .LBB2_5-.Ltmp0, $4  }
0x4: {  	_ = 	snop  }
0x5: {  	s3 =	rddreg [dreg:$0x0];
	s2 =	simm.s32 $0x0  }
0x6: {  	[smem:$0x7FF] =	sst s2  }
0x7: {  	s0 =	rddreg [dreg:$0x1];
	_ =	strace $0x80000047  }
0x8: {  	v0 =	vimm.s32 $0xEDCBA987;
	v1 =	vimm.s32 $0x6543210F  }
0x9: {  	v0 =	vunpack.c.l.s4.s8 v0;
	v1 =	vunpack.c.l.s4.s8 v1  }
0xa: {  	s4 =	srdreg.scid  }
0xb: {  	s4 =	sand.u32 $0x1, s4;
	v2 =	vunpack.c.0.s8.s32 v0;
	v3 =	vunpack.c.0.s8.s32 v1  }
0xc: {  	vm0 =	vcmask $0x300;
	v4 =	vimm.f32 $1.000000000e+09;
	s5 =	sshll.u32 s4, $0x3;
	v1 =	vlaneseq.u32  }
0xd: {  	s4 =	ssub.s32 $0x2, s4;
	v0 =	vimm.s32 $0x43FF;
	s5 =	sadd.s32 s1, s5;
	v5 =	vcombine.low v3, v2;
	v2 =	vmul.u32 $0xFFFFFF81, v1  }
0xe: {  	s8 =	sadd.s32 $0x400, s3;
	v4 =	vsel vm0, $0x0, v4;
	s7 =	sshrl.u32 s4, $0x1;
	s6 =	sshll.u32 s5, $0x4;
	v3 =	vsel vm0, $0x0, v0  }
0xf: {  	s5 =	smul.u32 $0x880, s5;
	s31 =	ssub.s32 s4, s7;
	s30 =	sadd.s32 s6, s3;
	vm0 =	vmmov $0x1;
	v5 =	vand.u32 $0xF, v5;
	v6 =	vadd.s32 $0xFFFFF810, v2  }
0x10: {  	s7 =	simm.s32 $0x4400;
	s6 =	simm.s32 $0x1;
	s3 =	sadd.s32 $0x8C00, s30;
	v7 =	vadd.s32 $0xFFFFF020, v2;
	v8 =	vadd.s32 $0xFFFFE830, v2;
	v9 =	vadd.s32 $0xFFFFE040, v2  }
0x11: {  	s4 =	sadd.s32 s8, s5;
	s5 =	smax.u32 s31, $0x1;
	s8 =	simm.s32 $0x0;
	v10 =	vadd.s32 $0xFFFFD850, v2;
	v11 =	vadd.s32 $0xFFFFD060, v2;
	v12 =	vadd.s32 $0xFFFFC870, v2  }
.LBB2_2:
0x12: {  	[tilespmem:s2], [sflag:$0x1] =	stream.linear.gather [hbm4b:s4+s2], $0x4400, $0x38;
	[tilespmem:$0x4480] =	vst v63  }
0x13: {  	_ =	swait.ge [sflag:s6], $0x4400  }
0x14: {  	[sflag:s6] =	ssyncset.done $0x0  }
0x15: {  	[sflag:s6] =	ssyncadd.s32 $0xFFFFBC00  }
0x16: {  	v13 =	vld.idx.msk [tilespmem:v3+s2+$0x0], $0xffff  }
0x17: {  	v14 =	vld.idx.msk [tilespmem:v0+s2+$0x0], $0xffff;
	_ =	sdelay $0x2  }
0x18: {  	s9 =	simm.s32 $0x80  }
0x19: {  	v16 =	vadd.s32 s9, v2  }
0x1a: {  	v15 =	vadd.f32 v4, v13;
	v13 =	vadd.f32 $1.000000000e+09, v14;
	v14 =	vmin.u32 v16, $0x43FF;
	_ =	sdelay $0x1  }
0x1b: {  	vm1 =	veq.s32 v1, $0x0;
	s10 =	simm.s32 $0x100  }
0x1c: {  	v18 =	vadd.s32 s9, v6;
	v19 =	vadd.s32 s9, v7;
	v20 =	vadd.s32 s10, v2  }
0x1d: {  	v22 =	vadd.s32 s10, v6;
	v23 =	vadd.s32 s10, v7;
	v24 =	vadd.s32 s10, v9  }
0x1e: {  	v26 =	vadd.s32 s10, v10;
	v27 =	vadd.s32 s10, v11;
	v18 =	vmin.u32 v18, $0x43FF;
	v14 =	vld.idx.msk [tilespmem:v14+s2+$0x0], $0xffff  }
0x1f: {  	v28 =	vadd.s32 s10, v12;
	v19 =	vmin.u32 v19, $0x43FF;
	v16 =	vperm.xlane v15, v5  }
0x20: {  	v25 =	vmin.u32 v20, $0x43FF;
	v20 =	vadd.s32 s10, v8;
	v30 =	vmin.u32 v22, $0x43FF  }
0x21: {  	v37 =	vmin.u32 v23, $0x43FF;
	v24 =	vmin.u32 v24, $0x43FF;
	v17 =	vsel vm1, $0x4E6E6B28, v16  }
0x22: {  	v29 =	vmin.u32 v20, $0x43FF;
	v20 =	vadd.s32 s9, v8;
	v17 =	vmin.f32 v15, v17  }
0x23: {  	v23 =	vmin.u32 v26, $0x43FF;
	v18 =	vld.idx.msk [tilespmem:v18+s2+$0x0], $0xffff;
	v31 =	vadd.f32 v14, v17;
	v14 =	vmin.u32 v20, $0x43FF  }
0x24: {  	v22 =	vmin.u32 v27, $0x43FF;
	v26 =	vadd.s32 s9, v12;
	v19 =	vld.idx.msk [tilespmem:v19+s2+$0x0], $0xffff;
	v21 =	vperm.xlane v13, v5  }
0x25: {  	v39 =	vmin.u32 v26, $0x43FF;
	v36 =	vld.idx.msk [tilespmem:v25+s2+$0x0], $0xffff;
	v25 =	vadd.s32 s9, v11;
	v15 =	vmin.f32 v31, v15  }
0x26: {  	v16 =	vsel vm0, v16, v21;
	v17 =	vadd.s32 s9, v9;
	v35 =	vperm.xlane v15, v5  }
0x27: {  	v20 =	vmin.u32 v28, $0x43FF;
	v28 =	vmin.u32 v17, $0x43FF;
	v17 =	vadd.s32 s9, v10  }
0x28: {  	v15 =	vmin.f32 v13, v16;
	v16 =	vmin.f32 v13, v21;
	v40 =	vld.idx.msk [tilespmem:v14+s2+$0x0], $0xffff;
	v14 =	vsel vm1, $0x4E6E6B28, v35  }
0x29: {  	v34 =	vld.idx.msk [tilespmem:v30+s2+$0x0], $0xffff;
	v41 =	vmin.u32 v25, $0x43FF;
	v30 =	vmovc v21;
	v27 =	vmovc v21;
	v25 =	vmov v21;
	v26 =	vmov v21  }
0x2a: {  	v38 =	vmin.u32 v17, $0x43FF;
	v32 =	vadd.f32 v18, v15;
	v33 =	vadd.f32 v19, v16;
	v19 =	vmovc v13;
	v17 =	vmovc v13  }
0x2b: {  	s10 =	simm.s32 $0x200;
	v37 =	vld.idx.msk [tilespmem:v37+s2+$0x0], $0xffff;
	s9 =	simm.s32 $0x1;
	v18 =	vmovc v13;
	v42 =	vmin.f32 v31, v14;
	v16 =	vmovc v13;
	v15 =	vmov v13;
	v14 =	vmov v13  }
.LBB2_3:
0x2c: {  	s11 =	sadd.s32 $0xFFFFFF80, s10;
	v13 =	vmin.f32 v32, v13;
	v19 =	vmin.f32 v33, v19;
	v43 =	vld.idx.msk [tilespmem:v28+s2+$0x0], $0xffff;
	v28 =	vadd.f32 v36, v42  }
0x2d: {  	v36 =	vadd.s32 s11, v2;
	v13 =	vperm.xlane v13, v5;
	v42 =	vperm.xlane v19, v5  }
0x2e: {  	v44 =	vadd.s32 s11, v6;
	v36 =	vmin.u32 v36, $0x43FF;
	v31 =	vmin.f32 v28, v31  }
0x2f: {  	v19 =	vmin.f32 v17, v21;
	v21 =	vld.idx.msk [tilespmem:v38+s2+$0x0], $0xffff;
	v35 =	vsel vm0, v35, v13;
	v13 =	vsel vm0, v13, v42  }
0x30: {  	v38 =	vadd.f32 v40, v19;
	v40 =	vld.idx.msk [tilespmem:v41+s2+$0x0], $0xffff;
	v19 =	vmin.f32 v32, v35;
	v35 =	vmin.f32 v33, v13  }
0x31: {  	v30 =	vmin.f32 v18, v30;
	v39 =	vld.idx.msk [tilespmem:v39+s2+$0x0], $0xffff;
	v13 =	vadd.f32 v34, v19;
	v19 =	vadd.f32 v37, v35  }
0x32: {  	v31 =	vperm.xlane v31, v5;
	v17 =	vmin.f32 v38, v17;
	v30 =	vadd.f32 v43, v30;
	v29 =	vld.idx.msk [tilespmem:v29+s2+$0x0], $0xffff  }
0x33: {  	v17 =	vperm.xlane v17, v5;
	v32 =	vmin.f32 v13, v32;
	v33 =	vmin.f32 v19, v33  }
0x34: {  	v18 =	vmin.f32 v30, v18;
	v32 =	vperm.xlane v32, v5;
	v33 =	vperm.xlane v33, v5  }
0x35: {  	v27 =	vmin.f32 v16, v27;
	v18 =	vperm.xlane v18, v5;
	v34 =	vsel vm0, v42, v17;
	v24 =	vld.idx.msk [tilespmem:v24+s2+$0x0], $0xffff  }
0x36: {  	v25 =	vmin.f32 v15, v25;
	v26 =	vmin.f32 v14, v26;
	v21 =	vadd.f32 v21, v27;
	v23 =	vld.idx.msk [tilespmem:v23+s2+$0x0], $0xffff  }
0x37: {  	v25 =	vadd.f32 v40, v25;
	v27 =	vmin.f32 v38, v34;
	v26 =	vadd.f32 v39, v26;
	v22 =	vld.idx.msk [tilespmem:v22+s2+$0x0], $0xffff  }
0x38: {  	v16 =	vmin.f32 v21, v16;
	v34 =	vsel vm0, v17, v18;
	v17 =	vadd.f32 v29, v27;
	v20 =	vld.idx.msk [tilespmem:v20+s2+$0x0], $0xffff  }
0x39: {  	v15 =	vmin.f32 v25, v15;
	v16 =	vperm.xlane v16, v5;
	v14 =	vmin.f32 v26, v14  }
0x3a: {  	v27 =	vmin.f32 v30, v34;
	v15 =	vperm.xlane v15, v5;
	v14 =	vperm.xlane v14, v5  }
0x3b: {  	v29 =	vsel vm0, v18, v16;
	v34 =	vmin.f32 v17, v38;
	v18 =	vadd.f32 v24, v27  }
0x3c: {  	v24 =	vsel vm0, v16, v15;
	v14 =	vsel vm0, v15, v14;
	v15 =	vmin.f32 v21, v29  }
0x3d: {  	v16 =	vadd.f32 v23, v15;
	v15 =	vmin.f32 v25, v24;
	v14 =	vmin.f32 v26, v14  }
0x3e: {  	v23 =	vmin.f32 v18, v30;
	v15 =	vadd.f32 v22, v15;
	v14 =	vadd.f32 v20, v14  }
0x3f: {  	v22 =	vperm.xlane v23, v5;
	v20 =	vmin.f32 v16, v21;
	v21 =	vperm.xlane v34, v5  }
0x40: {  	v23 =	vmin.f32 v15, v25;
	v24 =	vmin.f32 v14, v26;
	v20 =	vperm.xlane v20, v5  }
0x41: {  	v23 =	vperm.xlane v23, v5;
	v24 =	vperm.xlane v24, v5;
	v30 =	vsel vm0, v21, v22  }
0x42: {  	v34 =	vsel vm0, v32, v33;
	v21 =	vsel vm0, v33, v21;
	v27 =	vsel vm0, v22, v20  }
0x43: {  	v32 =	vsel vm0, v31, v32;
	v25 =	vsel vm0, v20, v23;
	v26 =	vsel vm0, v23, v24  }
0x44: {  	v22 =	vadd.s32 s11, v7;
	v20 =	vmin.u32 v44, $0x43FF;
	v23 =	vsel vm1, $0x4E6E6B28, v31  }
0x45: {  	v22 =	vmin.u32 v22, $0x43FF;
	v31 =	vld.idx.msk [tilespmem:v36+s2+$0x0], $0xffff  }
0x46: {  	v29 =	vadd.s32 s10, v6;
	v33 =	vadd.s32 s10, v7;
	v24 =	vadd.s32 s10, v2  }
0x47: {  	v35 =	vmin.u32 v24, $0x43FF;
	v24 =	vadd.s32 s10, v8;
	v36 =	vadd.s32 s10, v9  }
0x48: {  	v37 =	vadd.s32 s10, v10;
	v39 =	vadd.s32 s10, v12;
	v38 =	vadd.s32 s10, v11  }
0x49: {  	v41 =	vmin.u32 v29, $0x43FF;
	v43 =	vmin.u32 v33, $0x43FF;
	v29 =	vmin.u32 v24, $0x43FF;
	v40 =	vld.idx.msk [tilespmem:v20+s2+$0x0], $0xffff  }
0x4a: {  	v24 =	vmin.u32 v36, $0x43FF;
	v20 =	vmin.f32 v28, v23;
	v33 =	vld.idx.msk [tilespmem:v22+s2+$0x0], $0xffff;
	v22 =	vadd.s32 s11, v8  }
0x4b: {  	s9 =	sadd.s32 $0x2, s9;
	v23 =	vmin.u32 v37, $0x43FF;
	v31 =	vadd.f32 v31, v20;
	v42 =	vmin.u32 v22, $0x43FF  }
0x4c: {  	p0 =	slt.u32 s9, $0xFD;
	v37 =	vadd.s32 s11, v9;
	v20 =	vmin.u32 v39, $0x43FF;
	v22 =	vmin.u32 v38, $0x43FF;
	v36 =	vld.idx.msk [tilespmem:v35+s2+$0x0], $0xffff  }
.Ltmp1:
0x4d: {  	v35 =	vmin.f32 v31, v28;
	v28 =	vmin.u32 v37, $0x43FF;
	v37 =	vadd.s32 s11, v10;
	(pc) =	sbr.rel @p0 .LBB2_3-.Ltmp1, $4  }
0x4e: {  	v44 =	vadd.s32 s11, v12;
	v39 =	vadd.s32 s11, v11;
	v35 =	vperm.xlane v35, v5  }
0x4f: {  	v32 =	vmin.f32 v13, v32;
	v45 =	vmin.f32 v19, v34;
	v38 =	vmin.u32 v37, $0x43FF;
	v34 =	vld.idx.msk [tilespmem:v41+s2+$0x0], $0xffff  }
0x50: {  	v32 =	vadd.f32 v40, v32;
	v33 =	vadd.f32 v33, v45;
	v37 =	vsel vm1, $0x4E6E6B28, v35;
	v40 =	vld.idx.msk [tilespmem:v42+s2+$0x0], $0xffff  }
0x51: {  	s10 =	sadd.s32 $0x100, s10;
	v41 =	vmin.u32 v39, $0x43FF;
	v39 =	vmin.u32 v44, $0x43FF;
	v42 =	vmin.f32 v31, v37;
	v37 =	vld.idx.msk [tilespmem:v43+s2+$0x0], $0xffff  }
0x52: {  	_ =	sdelay $0x3  }
0x53: {  	v28 =	vld.idx.msk [tilespmem:v28+s2+$0x0], $0xffff  }
0x54: {  	v13 =	vmin.f32 v32, v13;
	v55 =	vld.idx.msk [tilespmem:v38+s2+$0x0], $0xffff  }
0x55: {  	v19 =	vmin.f32 v33, v19;
	v31 =	vadd.f32 v36, v42;
	v56 =	vld.idx.msk [tilespmem:v41+s2+$0x0], $0xffff;
	v13 =	vperm.xlane v13, v5  }
0x56: {  	v21 =	vmin.f32 v17, v21;
	v30 =	vmin.f32 v18, v30;
	v58 =	vld.idx.msk [tilespmem:v39+s2+$0x0], $0xffff;
	v19 =	vperm.xlane v19, v5  }
0x57: {  	v27 =	vmin.f32 v16, v27;
	v25 =	vmin.f32 v15, v25;
	v35 =	vsel vm0, v35, v13  }
0x58: {  	v13 =	vsel vm0, v13, v19;
	v21 =	vadd.f32 v40, v21;
	v57 =	vmin.f32 v32, v35  }
0x59: {  	v13 =	vmin.f32 v33, v13;
	v28 =	vadd.f32 v28, v30;
	v59 =	vadd.f32 v34, v57  }
0x5a: {  	v29 =	vld.idx.msk [tilespmem:v29+s2+$0x0], $0xffff;
	v26 =	vmin.f32 v14, v26;
	v13 =	vadd.f32 v37, v13;
	v27 =	vadd.f32 v55, v27  }
0x5b: {  	v24 =	vld.idx.msk [tilespmem:v24+s2+$0x0], $0xffff;
	v60 =	vmin.f32 v21, v17;
	v25 =	vadd.f32 v56, v25;
	v26 =	vadd.f32 v58, v26  }
0x5c: {  	v23 =	vld.idx.msk [tilespmem:v23+s2+$0x0], $0xffff;
	v17 =	vperm.xlane v60, v5;
	v61 =	vmin.f32 v28, v18;
	v63 =	vmin.f32 v27, v16  }
0x5d: {  	v62 =	vld.idx.msk [tilespmem:v22+s2+$0x0], $0xffff;
	v15 =	vmin.f32 v25, v15;
	v14 =	vmin.f32 v26, v14;
	v18 =	vperm.xlane v61, v5  }
0x5e: {  	v20 =	vld.idx.msk [tilespmem:v20+s2+$0x0], $0xffff;
	v19 =	vsel vm0, v19, v17;
	v16 =	vperm.xlane v63, v5;
	v15 =	vperm.xlane v15, v5  }
0x5f: {  	[tilespmem:$0x4400] =	vst v31;
	v14 =	vperm.xlane v14, v5;
	v19 =	vmin.f32 v21, v19;
	v17 =	vsel vm0, v17, v18  }
0x60: {  	[tilespmem:$0x4410] =	vst v59;
	v19 =	vadd.f32 v29, v19;
	v18 =	vsel vm0, v18, v16;
	v17 =	vmin.f32 v28, v17  }
0x61: {  	[tilespmem:$0x4420] =	vst v13;
	v16 =	vsel vm0, v16, v15;
	v18 =	vmin.f32 v27, v18;
	v17 =	vadd.f32 v24, v17  }
0x62: {  	v13 =	vsel vm0, v15, v14;
	v15 =	vmin.f32 v25, v16;
	v14 =	vadd.f32 v23, v18;
	[tilespmem:$0x4430] =	vst v19  }
0x63: {  	v13 =	vmin.f32 v26, v13;
	v15 =	vadd.f32 v62, v15;
	[tilespmem:$0x4440] =	vst v17  }
0x64: {  	s8 =	sadd.s32 $0x1, s8;
	v13 =	vadd.f32 v20, v13;
	[tilespmem:$0x4450] =	vst v14  }
0x65: {  	p0 =	sne.s32 s8, s5;
	[tilespmem:$0x4460] =	vst v15  }
.Ltmp2:
0x66: {  	[tilespmem:$0x4470] =	vst v13;
	(pc) =	sbr.rel @p0 .LBB2_2-.Ltmp2, $4  }
0x67: {  	[hbm4b:s3+s2] =	stream.linear.scatter [tilespmem:s7], [sflag:$0x1], $0x80, $0x38;
	[tilespmem:$0x4480] =	vst v63  }
0x68: {  	_ =	swait.ge [sflag:s6], $0x80  }
0x69: {  	[sflag:s6] =	ssyncset.done $0x0  }
0x6a: {  	[sflag:s6] =	ssyncadd.s32 $0xFFFFFF80  }
.LBB2_5:
0x6b: {  	_ =	sfence.sel $0x180000  }
0x6c: {  	[bflag:$0x0] =	sbarrier.arrive $0xFFFF  }
0x6d: {  	p0 =	sne.s32 s1, $0x0;
	_ =	strace $0x90000047  }
0x6e: {  	s0 =	sadd.s32 @!p0 $0x100000, s0;
	[bflag:$0x2] =	sbarrier.arrive $0xFFFF  }
0x6f: {  	[sflag:s0] =	ssyncadd.tile.s32 @!p0 $0x1;
	_ =	shalt  }
.Lfunc_end2:
_tile_overlayer_lowered:
.L_overlay_start_2:
0x70: {  	(tag) =	ssettag $0x2  }
0x71: {  	s0 =	rddreg [dreg:$0x0];
	s2 =	stileid.u32  }
0x72: {  	s1 =	rddreg [dreg:$0x1];
	p0 =	sne.s32 s2, $0x0  }
0x73: {  	s3 =	rddreg [dreg:$0x2];
	[bflag:$0x3] =	sbarrier.arrive $0xFFFF;
	s2 =	simm.s32 @!p0 $0x1C01  }
0x74: {  	[timem:s3], [sflag:s2] =	dma.local @!p0 [hbm:s0], s1  }
0x75: {  	s0 =	simm.s32 @!p0 $0x1  }
0x76: {  	_ =	swait.ge @!p0 [sflag:s0], s1  }
0x77: {  	s1 =	ssub.s32 @!p0 $0x0, s1;
	[sflag:s0] =	ssyncset.done @!p0 $0x0  }
0x78: {  	[sflag:s0] =	ssyncadd.s32 @!p0 s1  }
0x79: {  	[bflag:$0x3] =	sbarrier.arrive $0xFFFF  }
0x7a: {  	_ =	shalt  }

</sc_bundles>
